<compile_context>
chip_gen: v7x
topology: tpu7x:2x2x1
jax: 0.10.2.dev20260603
libtpu: 0.0.44.dev20260713+nightly
codegen_flags: <defaults>
</compile_context>

<pallas_src>
import functools

import jax
import jax.numpy as jnp
from jax import lax
from jax.experimental import pallas as pl
from jax.experimental.pallas import tpu as pltpu
from jax.experimental.pallas import tpu_sc as plsc

N = 10000
G = 64
H = 128
G_SC = 32

NC = 2
NS = 16
NW = NC * NS
CHUNK = 256
NVREG = H // 16
NPAD = N + 16
SEARCH_STEPS = 14


_sc_mesh = plsc.VectorSubcoreMesh(core_axis_name="c", subcore_axis_name="s")


@functools.partial(
    pl.kernel,
    mesh=_sc_mesh,
    out_type=jax.ShapeDtypeStruct((G_SC * H,), jnp.float32),
    scratch_types=[
        pltpu.VMEM((NPAD,), jnp.int32),
        pltpu.VMEM((CHUNK * H,), jnp.float32),
        pltpu.VMEM((H,), jnp.float32),
    ],
)
def _seg_mean_sc(x_hbm, batch_hbm, out_hbm, ids_v, buf, outbuf):
    wid = lax.axis_index("s") * NC + lax.axis_index("c")
    pltpu.sync_copy(batch_hbm, ids_v)

    def lower_bound(g):
        lo, hi = jnp.int32(0), jnp.int32(N)
        for _ in range(SEARCH_STEPS):
            mid = (lo + hi) >> 1
            v = ids_v[pl.ds(mid, 16)][0]
            cond = v < g
            lo = jnp.where(cond, mid + 1, lo)
            hi = jnp.where(cond, hi, mid)
        return lo

    g = wid
    s = lower_bound(g)
    e = lower_bound(g + 1)
    n = e - s
    nch = (n + (CHUNK - 1)) // CHUNK

    def chunk_body(ci, accs):
        rstart = jnp.minimum(s + ci * CHUNK, N - CHUNK)
        pltpu.sync_copy(x_hbm.at[pl.ds(rstart * H, CHUNK * H)], buf)
        lo = jnp.maximum(s, rstart) - rstart
        hi = jnp.minimum(e, rstart + CHUNK) - rstart

        def row_body(i, a):
            return tuple(a[j] + buf[pl.ds(i * H + 16 * j, 16)]
                         for j in range(NVREG))

        return lax.fori_loop(lo, hi, row_body, accs)

    accs0 = tuple(jnp.zeros((16,), jnp.float32) for _ in range(NVREG))
    accs = lax.fori_loop(0, nch, chunk_body, accs0)
    nv = jnp.full((16,), jnp.maximum(n, 1), jnp.float32)
    inv = 1.0 / nv
    for j in range(NVREG):
        outbuf[pl.ds(16 * j, 16)] = accs[j] * inv

    pltpu.sync_copy(outbuf, out_hbm.at[pl.ds(wid * H, H)])


BLK = 1000
NB = N // BLK


def _onehot_body(batch_ref, x_ref, out_ref, acc_ref, cnt_ref):
    k = pl.program_id(0)

    @pl.when(k == 0)
    def _init():
        acc_ref[...] = jnp.zeros_like(acc_ref)
        cnt_ref[...] = jnp.zeros_like(cnt_ref)

    ids = batch_ref[0, 0, :]
    oh = (ids[:, None] == lax.broadcasted_iota(jnp.int32, (BLK, G), 1))
    oh = oh.astype(jnp.float32)
    xb = x_ref[...]
    acc_ref[...] += lax.dot_general(
        oh, xb, dimension_numbers=(((0,), (0,)), ((), ())),
        preferred_element_type=jnp.float32)
    cnt_ref[...] += lax.dot_general(
        oh, jnp.ones((BLK, H), jnp.float32),
        dimension_numbers=(((0,), (0,)), ((), ())),
        preferred_element_type=jnp.float32)

    @pl.when(k == NB - 1)
    def _finish():
        out_ref[...] = acc_ref[...] / jnp.maximum(cnt_ref[...], 1.0)


def _onehot_mean(batch3, x):
    return pl.pallas_call(
        _onehot_body,
        grid=(NB,),
        in_specs=[
            pl.BlockSpec((1, 1, BLK), lambda k: (k, 0, 0)),
            pl.BlockSpec((BLK, H), lambda k: (k, 0)),
        ],
        out_specs=pl.BlockSpec((G, H), lambda k: (0, 0)),
        out_shape=jax.ShapeDtypeStruct((G, H), jnp.float32),
        scratch_shapes=[
            pltpu.VMEM((G, H), jnp.float32),
            pltpu.VMEM((G, H), jnp.float32),
        ],
    )(batch3, x)


def _mlp_body(msc_ref, mtc_ref, W1_ref, b1_ref, gamma_ref, beta_ref,
              W2_ref, b2_ref, out_ref):
    mean = jnp.concatenate([msc_ref[...], mtc_ref[G_SC:G, :]], axis=0)
    h = lax.dot_general(mean, W1_ref[...],
                        dimension_numbers=(((1,), (0,)), ((), ())),
                        preferred_element_type=jnp.float32)
    h = h + b1_ref[...]
    mu = jnp.mean(h, axis=0, keepdims=True)
    var = jnp.mean((h - mu) ** 2, axis=0, keepdims=True)
    h = (h - mu) * lax.rsqrt(var + 1e-5) * gamma_ref[...] + beta_ref[...]
    h = jnp.maximum(h, 0.0)
    out = lax.dot_general(h, W2_ref[...],
                          dimension_numbers=(((1,), (0,)), ((), ())),
                          preferred_element_type=jnp.float32)
    out_ref[...] = out + b2_ref[...]


def _mlp(mean_sc, mean_tc, W1, b1, gamma, beta, W2, b2):
    return pl.pallas_call(
        _mlp_body,
        out_shape=jax.ShapeDtypeStruct((G, H), jnp.float32),
    )(mean_sc, mean_tc, W1, b1.reshape(1, H), gamma.reshape(1, H),
      beta.reshape(1, H), W2, b2.reshape(1, H))


def kernel(x, edge_index, edge_attr, u, batch, W1, b1, gamma, beta, W2, b2):
    del edge_index, edge_attr, u
    batch_i = batch.astype(jnp.int32)
    batch_p = jnp.pad(batch_i, (0, NPAD - N), constant_values=G)
    batch3 = batch_i.reshape(NB, 1, BLK)
    mean_sc = _seg_mean_sc(x.reshape(N * H), batch_p).reshape(G_SC, H)
    mean_tc = _onehot_mean(batch3, x)
    return _mlp(mean_sc, mean_tc, W1, b1, gamma, beta, W2, b2)

# --- scband reference (transcript-rebuilt; emitter-appended) ---
"""Pipeline reference for scband-global-block-63840393888558 (READ-ONLY COPY).

The authoritative reference and input builder live on the scoring server;
editing this copy changes nothing except your own understanding.
"""

import jax, jax.numpy as jnp
import numpy as np

N = 10000
E = 320000
G = 64
HIDDEN = 128
OUT = 128
D_EDGE = 4


def scatter_mean(x, seg, num_segments):
    s = jax.ops.segment_sum(x, seg, num_segments=num_segments)
    cnt = jax.ops.segment_sum(jnp.ones((x.shape[0],), x.dtype), seg, num_segments=num_segments)
    return s / jnp.clip(cnt, 1.0, None)[:, None]


def setup_inputs(seed: int = 0) -> dict:
    key = jax.random.key(seed)
    ks = jax.random.split(key, 12)
    x = jax.random.normal(ks[0], (N, HIDDEN), dtype=jnp.float32)
    edge_index = jax.random.randint(ks[1], (2, E), 0, N)
    edge_attr = jax.random.normal(ks[2], (E, D_EDGE), dtype=jnp.float32)
    u = jax.random.normal(ks[3], (G, HIDDEN), dtype=jnp.float32)
    batch = jnp.sort(jax.random.randint(ks[4], (N,), 0, G))
    s1 = 1.0 / np.sqrt(HIDDEN)
    W1 = jax.random.uniform(ks[5], (HIDDEN, HIDDEN), jnp.float32, -s1, s1)
    b1 = jax.random.uniform(ks[6], (HIDDEN,), jnp.float32, -s1, s1)
    gamma = jnp.ones((HIDDEN,), jnp.float32)
    beta = jnp.zeros((HIDDEN,), jnp.float32)
    W2 = jax.random.uniform(ks[7], (HIDDEN, OUT), jnp.float32, -s1, s1)
    b2 = jax.random.uniform(ks[8], (OUT,), jnp.float32, -s1, s1)
    return {"x": x, "edge_index": edge_index, "edge_attr": edge_attr, "u": u,
            "batch": batch, "W1": W1, "b1": b1, "gamma": gamma, "beta": beta,
            "W2": W2, "b2": b2}


def reference(x, edge_index, edge_attr, u, batch, W1, b1, gamma, beta, W2, b2):
    # out = scatter_mean(x, batch, dim=0)
    out = scatter_mean(x, batch, G)
    # global_mlp: Linear -> BatchNorm1d (training-mode batch stats) -> ReLU -> Linear
    h = out @ W1 + b1
    mu = jnp.mean(h, axis=0)
    var = jnp.mean((h - mu) ** 2, axis=0)  # biased variance, as torch BN uses for normalization
    h = (h - mu) / jnp.sqrt(var + 1e-5) * gamma + beta
    h = jax.nn.relu(h)
    return h @ W2 + b2

if __name__ == "__main__":
    import jax
    _d = setup_inputs()
    print(jax.jit(kernel)(*tuple(_d.values())))

</pallas_src>

<mosaic_0001>
#map = affine_map<(d0, d1) -> (0)>
module attributes {stable_mosaic.version = 14 : i64} {
  func.func @_seg_mean_sc(%arg0: i32, %arg1: i32, %arg2: memref<1280000xf32, #tpu.memory_space<hbm>>, %arg3: memref<10016xi32, #tpu.memory_space<hbm>>, %arg4: memref<4096xf32, #tpu.memory_space<hbm>>, %arg5: memref<10016xi32, #tpu.memory_space<vmem>>, %arg6: memref<32768xf32, #tpu.memory_space<vmem>>, %arg7: memref<128xf32, #tpu.memory_space<vmem>>) attributes {dimension_semantics = [#tpu.dimension_semantics<core_parallel>, #tpu.dimension_semantics<subcore_parallel>], iteration_bounds = array<i64: 2, 16>, scalar_prefetch = 0 : i64, scratch_operands = 3 : i64, tpu.core_type = #tpu.core_type<sc_vector_subcore>, window_params = [{transform_indices = #map}, {transform_indices = #map}, {transform_indices = #map}]} {
    %mul3A = arith.constant 2 : i32
    %mul3A_0 = arith.muli %arg1, %mul3A : i32
    %add3A = arith.addi %mul3A_0, %arg0 : i32
    "tpu.region"() ({
      %run_scoped3A = tpu.sem_alloc : memref<!tpu.dma_semaphore, #tpu.memory_space<semaphore_mem>>
      tpu.enqueue_dma source(%arg3 : memref<10016xi32, #tpu.memory_space<hbm>>) target(%arg5 : memref<10016xi32, #tpu.memory_space<vmem>>) target_semaphore(%run_scoped3A : memref<!tpu.dma_semaphore, #tpu.memory_space<semaphore_mem>>)
      tpu.wait_dma2 semaphore(%run_scoped3A : memref<!tpu.dma_semaphore, #tpu.memory_space<semaphore_mem>>) src(%arg3 : memref<10016xi32, #tpu.memory_space<hbm>>) dst(%arg5 : memref<10016xi32, #tpu.memory_space<vmem>>)
      tpu.yield
    }) : () -> ()
    %add3A_1 = arith.constant 0 : i32
    %add3A_2 = arith.constant 10000 : i32
    %add3A_3 = arith.addi %add3A_1, %add3A_2 : i32
    %shift_right_arithmetic3A = arith.constant 1 : i32
    %shift_right_arithmetic3A_4 = arith.shrsi %add3A_3, %shift_right_arithmetic3A : i32
    %get3A = arith.index_cast %shift_right_arithmetic3A_4 : i32 to index
    %get3A_5 = tpu.vector_load %arg5[%get3A] {strides = array<i32>} : memref<10016xi32, #tpu.memory_space<vmem>>, vector<16xi32>,
    %get3A_6 = vector.shape_cast %get3A_5 : vector<16xi32> to vector<16xi32>
    %slice3A = vector.extract_strided_slice %get3A_6 {offsets = [0], sizes = [1], strides = [1]} : vector<16xi32> to vector<1xi32>
    %squeeze3A = vector.extract %slice3A[0] : i32 from vector<1xi32>
    %lt3A = arith.cmpi slt, %squeeze3A, %add3A : i32
    %add3A_7 = arith.constant 1 : i32
    %add3A_8 = arith.addi %shift_right_arithmetic3A_4, %add3A_7 : i32
    %jit3A = arith.constant 0 : i32
    %select_n3A = arith.select %lt3A, %add3A_8, %jit3A : i32
    %jit3A_9 = arith.constant 10000 : i32
    %select_n3A_10 = arith.select %lt3A, %jit3A_9, %shift_right_arithmetic3A_4 : i32
    %add3A_11 = arith.addi %select_n3A, %select_n3A_10 : i32
    %shift_right_arithmetic3A_12 = arith.constant 1 : i32
    %shift_right_arithmetic3A_13 = arith.shrsi %add3A_11, %shift_right_arithmetic3A_12 : i32
    %get3A_14 = arith.index_cast %shift_right_arithmetic3A_13 : i32 to index
    %get3A_15 = tpu.vector_load %arg5[%get3A_14] {strides = array<i32>} : memref<10016xi32, #tpu.memory_space<vmem>>, vector<16xi32>,
    %get3A_16 = vector.shape_cast %get3A_15 : vector<16xi32> to vector<16xi32>
    %slice3A_17 = vector.extract_strided_slice %get3A_16 {offsets = [0], sizes = [1], strides = [1]} : vector<16xi32> to vector<1xi32>
    %squeeze3A_18 = vector.extract %slice3A_17[0] : i32 from vector<1xi32>
    %lt3A_19 = arith.cmpi slt, %squeeze3A_18, %add3A : i32
    %add3A_20 = arith.constant 1 : i32
    %add3A_21 = arith.addi %shift_right_arithmetic3A_13, %add3A_20 : i32
    %select_n3A_22 = arith.select %lt3A_19, %add3A_21, %select_n3A : i32
    %select_n3A_23 = arith.select %lt3A_19, %select_n3A_10, %shift_right_arithmetic3A_13 : i32
    %add3A_24 = arith.addi %select_n3A_22, %select_n3A_23 : i32
    %shift_right_arithmetic3A_25 = arith.constant 1 : i32
    %shift_right_arithmetic3A_26 = arith.shrsi %add3A_24, %shift_right_arithmetic3A_25 : i32
    %get3A_27 = arith.index_cast %shift_right_arithmetic3A_26 : i32 to index
    %get3A_28 = tpu.vector_load %arg5[%get3A_27] {strides = array<i32>} : memref<10016xi32, #tpu.memory_space<vmem>>, vector<16xi32>,
    %get3A_29 = vector.shape_cast %get3A_28 : vector<16xi32> to vector<16xi32>
    %slice3A_30 = vector.extract_strided_slice %get3A_29 {offsets = [0], sizes = [1], strides = [1]} : vector<16xi32> to vector<1xi32>
    %squeeze3A_31 = vector.extract %slice3A_30[0] : i32 from vector<1xi32>
    %lt3A_32 = arith.cmpi slt, %squeeze3A_31, %add3A : i32
    %add3A_33 = arith.constant 1 : i32
    %add3A_34 = arith.addi %shift_right_arithmetic3A_26, %add3A_33 : i32
    %select_n3A_35 = arith.select %lt3A_32, %add3A_34, %select_n3A_22 : i32
    %select_n3A_36 = arith.select %lt3A_32, %select_n3A_23, %shift_right_arithmetic3A_26 : i32
    %add3A_37 = arith.addi %select_n3A_35, %select_n3A_36 : i32
    %shift_right_arithmetic3A_38 = arith.constant 1 : i32
    %shift_right_arithmetic3A_39 = arith.shrsi %add3A_37, %shift_right_arithmetic3A_38 : i32
    %get3A_40 = arith.index_cast %shift_right_arithmetic3A_39 : i32 to index
    %get3A_41 = tpu.vector_load %arg5[%get3A_40] {strides = array<i32>} : memref<10016xi32, #tpu.memory_space<vmem>>, vector<16xi32>,
    %get3A_42 = vector.shape_cast %get3A_41 : vector<16xi32> to vector<16xi32>
    %slice3A_43 = vector.extract_strided_slice %get3A_42 {offsets = [0], sizes = [1], strides = [1]} : vector<16xi32> to vector<1xi32>
    %squeeze3A_44 = vector.extract %slice3A_43[0] : i32 from vector<1xi32>
    %lt3A_45 = arith.cmpi slt, %squeeze3A_44, %add3A : i32
    %add3A_46 = arith.constant 1 : i32
    %add3A_47 = arith.addi %shift_right_arithmetic3A_39, %add3A_46 : i32
    %select_n3A_48 = arith.select %lt3A_45, %add3A_47, %select_n3A_35 : i32
    %select_n3A_49 = arith.select %lt3A_45, %select_n3A_36, %shift_right_arithmetic3A_39 : i32
    %add3A_50 = arith.addi %select_n3A_48, %select_n3A_49 : i32
    %shift_right_arithmetic3A_51 = arith.constant 1 : i32
    %shift_right_arithmetic3A_52 = arith.shrsi %add3A_50, %shift_right_arithmetic3A_51 : i32
    %get3A_53 = arith.index_cast %shift_right_arithmetic3A_52 : i32 to index
    %get3A_54 = tpu.vector_load %arg5[%get3A_53] {strides = array<i32>} : memref<10016xi32, #tpu.memory_space<vmem>>, vector<16xi32>,
    %get3A_55 = vector.shape_cast %get3A_54 : vector<16xi32> to vector<16xi32>
    %slice3A_56 = vector.extract_strided_slice %get3A_55 {offsets = [0], sizes = [1], strides = [1]} : vector<16xi32> to vector<1xi32>
    %squeeze3A_57 = vector.extract %slice3A_56[0] : i32 from vector<1xi32>
    %lt3A_58 = arith.cmpi slt, %squeeze3A_57, %add3A : i32
    %add3A_59 = arith.constant 1 : i32
    %add3A_60 = arith.addi %shift_right_arithmetic3A_52, %add3A_59 : i32
    %select_n3A_61 = arith.select %lt3A_58, %add3A_60, %select_n3A_48 : i32
    %select_n3A_62 = arith.select %lt3A_58, %select_n3A_49, %shift_right_arithmetic3A_52 : i32
    %add3A_63 = arith.addi %select_n3A_61, %select_n3A_62 : i32
    %shift_right_arithmetic3A_64 = arith.constant 1 : i32
    %shift_right_arithmetic3A_65 = arith.shrsi %add3A_63, %shift_right_arithmetic3A_64 : i32
    %get3A_66 = arith.index_cast %shift_right_arithmetic3A_65 : i32 to index
    %get3A_67 = tpu.vector_load %arg5[%get3A_66] {strides = array<i32>} : memref<10016xi32, #tpu.memory_space<vmem>>, vector<16xi32>,
    %get3A_68 = vector.shape_cast %get3A_67 : vector<16xi32> to vector<16xi32>
    %slice3A_69 = vector.extract_strided_slice %get3A_68 {offsets = [0], sizes = [1], strides = [1]} : vector<16xi32> to vector<1xi32>
    %squeeze3A_70 = vector.extract %slice3A_69[0] : i32 from vector<1xi32>
    %lt3A_71 = arith.cmpi slt, %squeeze3A_70, %add3A : i32
    %add3A_72 = arith.constant 1 : i32
    %add3A_73 = arith.addi %shift_right_arithmetic3A_65, %add3A_72 : i32
    %select_n3A_74 = arith.select %lt3A_71, %add3A_73, %select_n3A_61 : i32
    %select_n3A_75 = arith.select %lt3A_71, %select_n3A_62, %shift_right_arithmetic3A_65 : i32
    %add3A_76 = arith.addi %select_n3A_74, %select_n3A_75 : i32
    %shift_right_arithmetic3A_77 = arith.constant 1 : i32
    %shift_right_arithmetic3A_78 = arith.shrsi %add3A_76, %shift_right_arithmetic3A_77 : i32
    %get3A_79 = arith.index_cast %shift_right_arithmetic3A_78 : i32 to index
    %get3A_80 = tpu.vector_load %arg5[%get3A_79] {strides = array<i32>} : memref<10016xi32, #tpu.memory_space<vmem>>, vector<16xi32>,
    %get3A_81 = vector.shape_cast %get3A_80 : vector<16xi32> to vector<16xi32>
    %slice3A_82 = vector.extract_strided_slice %get3A_81 {offsets = [0], sizes = [1], strides = [1]} : vector<16xi32> to vector<1xi32>
    %squeeze3A_83 = vector.extract %slice3A_82[0] : i32 from vector<1xi32>
    %lt3A_84 = arith.cmpi slt, %squeeze3A_83, %add3A : i32
    %add3A_85 = arith.constant 1 : i32
    %add3A_86 = arith.addi %shift_right_arithmetic3A_78, %add3A_85 : i32
    %select_n3A_87 = arith.select %lt3A_84, %add3A_86, %select_n3A_74 : i32
    %select_n3A_88 = arith.select %lt3A_84, %select_n3A_75, %shift_right_arithmetic3A_78 : i32
    %add3A_89 = arith.addi %select_n3A_87, %select_n3A_88 : i32
    %shift_right_arithmetic3A_90 = arith.constant 1 : i32
    %shift_right_arithmetic3A_91 = arith.shrsi %add3A_89, %shift_right_arithmetic3A_90 : i32
    %get3A_92 = arith.index_cast %shift_right_arithmetic3A_91 : i32 to index
    %get3A_93 = tpu.vector_load %arg5[%get3A_92] {strides = array<i32>} : memref<10016xi32, #tpu.memory_space<vmem>>, vector<16xi32>,
    %get3A_94 = vector.shape_cast %get3A_93 : vector<16xi32> to vector<16xi32>
    %slice3A_95 = vector.extract_strided_slice %get3A_94 {offsets = [0], sizes = [1], strides = [1]} : vector<16xi32> to vector<1xi32>
    %squeeze3A_96 = vector.extract %slice3A_95[0] : i32 from vector<1xi32>
    %lt3A_97 = arith.cmpi slt, %squeeze3A_96, %add3A : i32
    %add3A_98 = arith.constant 1 : i32
    %add3A_99 = arith.addi %shift_right_arithmetic3A_91, %add3A_98 : i32
    %select_n3A_100 = arith.select %lt3A_97, %add3A_99, %select_n3A_87 : i32
    %select_n3A_101 = arith.select %lt3A_97, %select_n3A_88, %shift_right_arithmetic3A_91 : i32
    %add3A_102 = arith.addi %select_n3A_100, %select_n3A_101 : i32
    %shift_right_arithmetic3A_103 = arith.constant 1 : i32
    %shift_right_arithmetic3A_104 = arith.shrsi %add3A_102, %shift_right_arithmetic3A_103 : i32
    %get3A_105 = arith.index_cast %shift_right_arithmetic3A_104 : i32 to index
    %get3A_106 = tpu.vector_load %arg5[%get3A_105] {strides = array<i32>} : memref<10016xi32, #tpu.memory_space<vmem>>, vector<16xi32>,
    %get3A_107 = vector.shape_cast %get3A_106 : vector<16xi32> to vector<16xi32>
    %slice3A_108 = vector.extract_strided_slice %get3A_107 {offsets = [0], sizes = [1], strides = [1]} : vector<16xi32> to vector<1xi32>
    %squeeze3A_109 = vector.extract %slice3A_108[0] : i32 from vector<1xi32>
    %lt3A_110 = arith.cmpi slt, %squeeze3A_109, %add3A : i32
    %add3A_111 = arith.constant 1 : i32
    %add3A_112 = arith.addi %shift_right_arithmetic3A_104, %add3A_111 : i32
    %select_n3A_113 = arith.select %lt3A_110, %add3A_112, %select_n3A_100 : i32
    %select_n3A_114 = arith.select %lt3A_110, %select_n3A_101, %shift_right_arithmetic3A_104 : i32
    %add3A_115 = arith.addi %select_n3A_113, %select_n3A_114 : i32
    %shift_right_arithmetic3A_116 = arith.constant 1 : i32
    %shift_right_arithmetic3A_117 = arith.shrsi %add3A_115, %shift_right_arithmetic3A_116 : i32
    %get3A_118 = arith.index_cast %shift_right_arithmetic3A_117 : i32 to index
    %get3A_119 = tpu.vector_load %arg5[%get3A_118] {strides = array<i32>} : memref<10016xi32, #tpu.memory_space<vmem>>, vector<16xi32>,
    %get3A_120 = vector.shape_cast %get3A_119 : vector<16xi32> to vector<16xi32>
    %slice3A_121 = vector.extract_strided_slice %get3A_120 {offsets = [0], sizes = [1], strides = [1]} : vector<16xi32> to vector<1xi32>
    %squeeze3A_122 = vector.extract %slice3A_121[0] : i32 from vector<1xi32>
    %lt3A_123 = arith.cmpi slt, %squeeze3A_122, %add3A : i32
    %add3A_124 = arith.constant 1 : i32
    %add3A_125 = arith.addi %shift_right_arithmetic3A_117, %add3A_124 : i32
    %select_n3A_126 = arith.select %lt3A_123, %add3A_125, %select_n3A_113 : i32
    %select_n3A_127 = arith.select %lt3A_123, %select_n3A_114, %shift_right_arithmetic3A_117 : i32
    %add3A_128 = arith.addi %select_n3A_126, %select_n3A_127 : i32
    %shift_right_arithmetic3A_129 = arith.constant 1 : i32
    %shift_right_arithmetic3A_130 = arith.shrsi %add3A_128, %shift_right_arithmetic3A_129 : i32
    %get3A_131 = arith.index_cast %shift_right_arithmetic3A_130 : i32 to index
    %get3A_132 = tpu.vector_load %arg5[%get3A_131] {strides = array<i32>} : memref<10016xi32, #tpu.memory_space<vmem>>, vector<16xi32>,
    %get3A_133 = vector.shape_cast %get3A_132 : vector<16xi32> to vector<16xi32>
    %slice3A_134 = vector.extract_strided_slice %get3A_133 {offsets = [0], sizes = [1], strides = [1]} : vector<16xi32> to vector<1xi32>
    %squeeze3A_135 = vector.extract %slice3A_134[0] : i32 from vector<1xi32>
    %lt3A_136 = arith.cmpi slt, %squeeze3A_135, %add3A : i32
    %add3A_137 = arith.constant 1 : i32
    %add3A_138 = arith.addi %shift_right_arithmetic3A_130, %add3A_137 : i32
    %select_n3A_139 = arith.select %lt3A_136, %add3A_138, %select_n3A_126 : i32
    %select_n3A_140 = arith.select %lt3A_136, %select_n3A_127, %shift_right_arithmetic3A_130 : i32
    %add3A_141 = arith.addi %select_n3A_139, %select_n3A_140 : i32
    %shift_right_arithmetic3A_142 = arith.constant 1 : i32
    %shift_right_arithmetic3A_143 = arith.shrsi %add3A_141, %shift_right_arithmetic3A_142 : i32
    %get3A_144 = arith.index_cast %shift_right_arithmetic3A_143 : i32 to index
    %get3A_145 = tpu.vector_load %arg5[%get3A_144] {strides = array<i32>} : memref<10016xi32, #tpu.memory_space<vmem>>, vector<16xi32>,
    %get3A_146 = vector.shape_cast %get3A_145 : vector<16xi32> to vector<16xi32>
    %slice3A_147 = vector.extract_strided_slice %get3A_146 {offsets = [0], sizes = [1], strides = [1]} : vector<16xi32> to vector<1xi32>
    %squeeze3A_148 = vector.extract %slice3A_147[0] : i32 from vector<1xi32>
    %lt3A_149 = arith.cmpi slt, %squeeze3A_148, %add3A : i32
    %add3A_150 = arith.constant 1 : i32
    %add3A_151 = arith.addi %shift_right_arithmetic3A_143, %add3A_150 : i32
    %select_n3A_152 = arith.select %lt3A_149, %add3A_151, %select_n3A_139 : i32
    %select_n3A_153 = arith.select %lt3A_149, %select_n3A_140, %shift_right_arithmetic3A_143 : i32
    %add3A_154 = arith.addi %select_n3A_152, %select_n3A_153 : i32
    %shift_right_arithmetic3A_155 = arith.constant 1 : i32
    %shift_right_arithmetic3A_156 = arith.shrsi %add3A_154, %shift_right_arithmetic3A_155 : i32
    %get3A_157 = arith.index_cast %shift_right_arithmetic3A_156 : i32 to index
    %get3A_158 = tpu.vector_load %arg5[%get3A_157] {strides = array<i32>} : memref<10016xi32, #tpu.memory_space<vmem>>, vector<16xi32>,
    %get3A_159 = vector.shape_cast %get3A_158 : vector<16xi32> to vector<16xi32>
    %slice3A_160 = vector.extract_strided_slice %get3A_159 {offsets = [0], sizes = [1], strides = [1]} : vector<16xi32> to vector<1xi32>
    %squeeze3A_161 = vector.extract %slice3A_160[0] : i32 from vector<1xi32>
    %lt3A_162 = arith.cmpi slt, %squeeze3A_161, %add3A : i32
    %add3A_163 = arith.constant 1 : i32
    %add3A_164 = arith.addi %shift_right_arithmetic3A_156, %add3A_163 : i32
    %select_n3A_165 = arith.select %lt3A_162, %add3A_164, %select_n3A_152 : i32
    %select_n3A_166 = arith.select %lt3A_162, %select_n3A_153, %shift_right_arithmetic3A_156 : i32
    %add3A_167 = arith.addi %select_n3A_165, %select_n3A_166 : i32
    %shift_right_arithmetic3A_168 = arith.constant 1 : i32
    %shift_right_arithmetic3A_169 = arith.shrsi %add3A_167, %shift_right_arithmetic3A_168 : i32
    %get3A_170 = arith.index_cast %shift_right_arithmetic3A_169 : i32 to index
    %get3A_171 = tpu.vector_load %arg5[%get3A_170] {strides = array<i32>} : memref<10016xi32, #tpu.memory_space<vmem>>, vector<16xi32>,
    %get3A_172 = vector.shape_cast %get3A_171 : vector<16xi32> to vector<16xi32>
    %slice3A_173 = vector.extract_strided_slice %get3A_172 {offsets = [0], sizes = [1], strides = [1]} : vector<16xi32> to vector<1xi32>
    %squeeze3A_174 = vector.extract %slice3A_173[0] : i32 from vector<1xi32>
    %lt3A_175 = arith.cmpi slt, %squeeze3A_174, %add3A : i32
    %add3A_176 = arith.constant 1 : i32
    %add3A_177 = arith.addi %shift_right_arithmetic3A_169, %add3A_176 : i32
    %select_n3A_178 = arith.select %lt3A_175, %add3A_177, %select_n3A_165 : i32
    %select_n3A_179 = arith.select %lt3A_175, %select_n3A_166, %shift_right_arithmetic3A_169 : i32
    %add3A_180 = arith.constant 1 : i32
    %add3A_181 = arith.addi %add3A, %add3A_180 : i32
    %add3A_182 = arith.constant 0 : i32
    %add3A_183 = arith.constant 10000 : i32
    %add3A_184 = arith.addi %add3A_182, %add3A_183 : i32
    %shift_right_arithmetic3A_185 = arith.constant 1 : i32
    %shift_right_arithmetic3A_186 = arith.shrsi %add3A_184, %shift_right_arithmetic3A_185 : i32
    %get3A_187 = arith.index_cast %shift_right_arithmetic3A_186 : i32 to index
    %get3A_188 = tpu.vector_load %arg5[%get3A_187] {strides = array<i32>} : memref<10016xi32, #tpu.memory_space<vmem>>, vector<16xi32>,
    %get3A_189 = vector.shape_cast %get3A_188 : vector<16xi32> to vector<16xi32>
    %slice3A_190 = vector.extract_strided_slice %get3A_189 {offsets = [0], sizes = [1], strides = [1]} : vector<16xi32> to vector<1xi32>
    %squeeze3A_191 = vector.extract %slice3A_190[0] : i32 from vector<1xi32>
    %lt3A_192 = arith.cmpi slt, %squeeze3A_191, %add3A_181 : i32
    %add3A_193 = arith.constant 1 : i32
    %add3A_194 = arith.addi %shift_right_arithmetic3A_186, %add3A_193 : i32
    %jit3A_195 = arith.constant 0 : i32
    %select_n3A_196 = arith.select %lt3A_192, %add3A_194, %jit3A_195 : i32
    %jit3A_197 = arith.constant 10000 : i32
    %select_n3A_198 = arith.select %lt3A_192, %jit3A_197, %shift_right_arithmetic3A_186 : i32
    %add3A_199 = arith.addi %select_n3A_196, %select_n3A_198 : i32
    %shift_right_arithmetic3A_200 = arith.constant 1 : i32
    %shift_right_arithmetic3A_201 = arith.shrsi %add3A_199, %shift_right_arithmetic3A_200 : i32
    %get3A_202 = arith.index_cast %shift_right_arithmetic3A_201 : i32 to index
    %get3A_203 = tpu.vector_load %arg5[%get3A_202] {strides = array<i32>} : memref<10016xi32, #tpu.memory_space<vmem>>, vector<16xi32>,
    %get3A_204 = vector.shape_cast %get3A_203 : vector<16xi32> to vector<16xi32>
    %slice3A_205 = vector.extract_strided_slice %get3A_204 {offsets = [0], sizes = [1], strides = [1]} : vector<16xi32> to vector<1xi32>
    %squeeze3A_206 = vector.extract %slice3A_205[0] : i32 from vector<1xi32>
    %lt3A_207 = arith.cmpi slt, %squeeze3A_206, %add3A_181 : i32
    %add3A_208 = arith.constant 1 : i32
    %add3A_209 = arith.addi %shift_right_arithmetic3A_201, %add3A_208 : i32
    %select_n3A_210 = arith.select %lt3A_207, %add3A_209, %select_n3A_196 : i32
    %select_n3A_211 = arith.select %lt3A_207, %select_n3A_198, %shift_right_arithmetic3A_201 : i32
    %add3A_212 = arith.addi %select_n3A_210, %select_n3A_211 : i32
    %shift_right_arithmetic3A_213 = arith.constant 1 : i32
    %shift_right_arithmetic3A_214 = arith.shrsi %add3A_212, %shift_right_arithmetic3A_213 : i32
    %get3A_215 = arith.index_cast %shift_right_arithmetic3A_214 : i32 to index
    %get3A_216 = tpu.vector_load %arg5[%get3A_215] {strides = array<i32>} : memref<10016xi32, #tpu.memory_space<vmem>>, vector<16xi32>,
    %get3A_217 = vector.shape_cast %get3A_216 : vector<16xi32> to vector<16xi32>
    %slice3A_218 = vector.extract_strided_slice %get3A_217 {offsets = [0], sizes = [1], strides = [1]} : vector<16xi32> to vector<1xi32>
    %squeeze3A_219 = vector.extract %slice3A_218[0] : i32 from vector<1xi32>
    %lt3A_220 = arith.cmpi slt, %squeeze3A_219, %add3A_181 : i32
    %add3A_221 = arith.constant 1 : i32
    %add3A_222 = arith.addi %shift_right_arithmetic3A_214, %add3A_221 : i32
    %select_n3A_223 = arith.select %lt3A_220, %add3A_222, %select_n3A_210 : i32
    %select_n3A_224 = arith.select %lt3A_220, %select_n3A_211, %shift_right_arithmetic3A_214 : i32
    %add3A_225 = arith.addi %select_n3A_223, %select_n3A_224 : i32
    %shift_right_arithmetic3A_226 = arith.constant 1 : i32
    %shift_right_arithmetic3A_227 = arith.shrsi %add3A_225, %shift_right_arithmetic3A_226 : i32
    %get3A_228 = arith.index_cast %shift_right_arithmetic3A_227 : i32 to index
    %get3A_229 = tpu.vector_load %arg5[%get3A_228] {strides = array<i32>} : memref<10016xi32, #tpu.memory_space<vmem>>, vector<16xi32>,
    %get3A_230 = vector.shape_cast %get3A_229 : vector<16xi32> to vector<16xi32>
    %slice3A_231 = vector.extract_strided_slice %get3A_230 {offsets = [0], sizes = [1], strides = [1]} : vector<16xi32> to vector<1xi32>
    %squeeze3A_232 = vector.extract %slice3A_231[0] : i32 from vector<1xi32>
    %lt3A_233 = arith.cmpi slt, %squeeze3A_232, %add3A_181 : i32
    %add3A_234 = arith.constant 1 : i32
    %add3A_235 = arith.addi %shift_right_arithmetic3A_227, %add3A_234 : i32
    %select_n3A_236 = arith.select %lt3A_233, %add3A_235, %select_n3A_223 : i32
    %select_n3A_237 = arith.select %lt3A_233, %select_n3A_224, %shift_right_arithmetic3A_227 : i32
    %add3A_238 = arith.addi %select_n3A_236, %select_n3A_237 : i32
    %shift_right_arithmetic3A_239 = arith.constant 1 : i32
    %shift_right_arithmetic3A_240 = arith.shrsi %add3A_238, %shift_right_arithmetic3A_239 : i32
    %get3A_241 = arith.index_cast %shift_right_arithmetic3A_240 : i32 to index
    %get3A_242 = tpu.vector_load %arg5[%get3A_241] {strides = array<i32>} : memref<10016xi32, #tpu.memory_space<vmem>>, vector<16xi32>,
    %get3A_243 = vector.shape_cast %get3A_242 : vector<16xi32> to vector<16xi32>
    %slice3A_244 = vector.extract_strided_slice %get3A_243 {offsets = [0], sizes = [1], strides = [1]} : vector<16xi32> to vector<1xi32>
    %squeeze3A_245 = vector.extract %slice3A_244[0] : i32 from vector<1xi32>
    %lt3A_246 = arith.cmpi slt, %squeeze3A_245, %add3A_181 : i32
    %add3A_247 = arith.constant 1 : i32
    %add3A_248 = arith.addi %shift_right_arithmetic3A_240, %add3A_247 : i32
    %select_n3A_249 = arith.select %lt3A_246, %add3A_248, %select_n3A_236 : i32
    %select_n3A_250 = arith.select %lt3A_246, %select_n3A_237, %shift_right_arithmetic3A_240 : i32
    %add3A_251 = arith.addi %select_n3A_249, %select_n3A_250 : i32
    %shift_right_arithmetic3A_252 = arith.constant 1 : i32
    %shift_right_arithmetic3A_253 = arith.shrsi %add3A_251, %shift_right_arithmetic3A_252 : i32
    %get3A_254 = arith.index_cast %shift_right_arithmetic3A_253 : i32 to index
    %get3A_255 = tpu.vector_load %arg5[%get3A_254] {strides = array<i32>} : memref<10016xi32, #tpu.memory_space<vmem>>, vector<16xi32>,
    %get3A_256 = vector.shape_cast %get3A_255 : vector<16xi32> to vector<16xi32>
    %slice3A_257 = vector.extract_strided_slice %get3A_256 {offsets = [0], sizes = [1], strides = [1]} : vector<16xi32> to vector<1xi32>
    %squeeze3A_258 = vector.extract %slice3A_257[0] : i32 from vector<1xi32>
    %lt3A_259 = arith.cmpi slt, %squeeze3A_258, %add3A_181 : i32
    %add3A_260 = arith.constant 1 : i32
    %add3A_261 = arith.addi %shift_right_arithmetic3A_253, %add3A_260 : i32
    %select_n3A_262 = arith.select %lt3A_259, %add3A_261, %select_n3A_249 : i32
    %select_n3A_263 = arith.select %lt3A_259, %select_n3A_250, %shift_right_arithmetic3A_253 : i32
    %add3A_264 = arith.addi %select_n3A_262, %select_n3A_263 : i32
    %shift_right_arithmetic3A_265 = arith.constant 1 : i32
    %shift_right_arithmetic3A_266 = arith.shrsi %add3A_264, %shift_right_arithmetic3A_265 : i32
    %get3A_267 = arith.index_cast %shift_right_arithmetic3A_266 : i32 to index
    %get3A_268 = tpu.vector_load %arg5[%get3A_267] {strides = array<i32>} : memref<10016xi32, #tpu.memory_space<vmem>>, vector<16xi32>,
    %get3A_269 = vector.shape_cast %get3A_268 : vector<16xi32> to vector<16xi32>
    %slice3A_270 = vector.extract_strided_slice %get3A_269 {offsets = [0], sizes = [1], strides = [1]} : vector<16xi32> to vector<1xi32>
    %squeeze3A_271 = vector.extract %slice3A_270[0] : i32 from vector<1xi32>
    %lt3A_272 = arith.cmpi slt, %squeeze3A_271, %add3A_181 : i32
    %add3A_273 = arith.constant 1 : i32
    %add3A_274 = arith.addi %shift_right_arithmetic3A_266, %add3A_273 : i32
    %select_n3A_275 = arith.select %lt3A_272, %add3A_274, %select_n3A_262 : i32
    %select_n3A_276 = arith.select %lt3A_272, %select_n3A_263, %shift_right_arithmetic3A_266 : i32
    %add3A_277 = arith.addi %select_n3A_275, %select_n3A_276 : i32
    %shift_right_arithmetic3A_278 = arith.constant 1 : i32
    %shift_right_arithmetic3A_279 = arith.shrsi %add3A_277, %shift_right_arithmetic3A_278 : i32
    %get3A_280 = arith.index_cast %shift_right_arithmetic3A_279 : i32 to index
    %get3A_281 = tpu.vector_load %arg5[%get3A_280] {strides = array<i32>} : memref<10016xi32, #tpu.memory_space<vmem>>, vector<16xi32>,
    %get3A_282 = vector.shape_cast %get3A_281 : vector<16xi32> to vector<16xi32>
    %slice3A_283 = vector.extract_strided_slice %get3A_282 {offsets = [0], sizes = [1], strides = [1]} : vector<16xi32> to vector<1xi32>
    %squeeze3A_284 = vector.extract %slice3A_283[0] : i32 from vector<1xi32>
    %lt3A_285 = arith.cmpi slt, %squeeze3A_284, %add3A_181 : i32
    %add3A_286 = arith.constant 1 : i32
    %add3A_287 = arith.addi %shift_right_arithmetic3A_279, %add3A_286 : i32
    %select_n3A_288 = arith.select %lt3A_285, %add3A_287, %select_n3A_275 : i32
    %select_n3A_289 = arith.select %lt3A_285, %select_n3A_276, %shift_right_arithmetic3A_279 : i32
    %add3A_290 = arith.addi %select_n3A_288, %select_n3A_289 : i32
    %shift_right_arithmetic3A_291 = arith.constant 1 : i32
    %shift_right_arithmetic3A_292 = arith.shrsi %add3A_290, %shift_right_arithmetic3A_291 : i32
    %get3A_293 = arith.index_cast %shift_right_arithmetic3A_292 : i32 to index
    %get3A_294 = tpu.vector_load %arg5[%get3A_293] {strides = array<i32>} : memref<10016xi32, #tpu.memory_space<vmem>>, vector<16xi32>,
    %get3A_295 = vector.shape_cast %get3A_294 : vector<16xi32> to vector<16xi32>
    %slice3A_296 = vector.extract_strided_slice %get3A_295 {offsets = [0], sizes = [1], strides = [1]} : vector<16xi32> to vector<1xi32>
    %squeeze3A_297 = vector.extract %slice3A_296[0] : i32 from vector<1xi32>
    %lt3A_298 = arith.cmpi slt, %squeeze3A_297, %add3A_181 : i32
    %add3A_299 = arith.constant 1 : i32
    %add3A_300 = arith.addi %shift_right_arithmetic3A_292, %add3A_299 : i32
    %select_n3A_301 = arith.select %lt3A_298, %add3A_300, %select_n3A_288 : i32
    %select_n3A_302 = arith.select %lt3A_298, %select_n3A_289, %shift_right_arithmetic3A_292 : i32
    %add3A_303 = arith.addi %select_n3A_301, %select_n3A_302 : i32
    %shift_right_arithmetic3A_304 = arith.constant 1 : i32
    %shift_right_arithmetic3A_305 = arith.shrsi %add3A_303, %shift_right_arithmetic3A_304 : i32
    %get3A_306 = arith.index_cast %shift_right_arithmetic3A_305 : i32 to index
    %get3A_307 = tpu.vector_load %arg5[%get3A_306] {strides = array<i32>} : memref<10016xi32, #tpu.memory_space<vmem>>, vector<16xi32>,
    %get3A_308 = vector.shape_cast %get3A_307 : vector<16xi32> to vector<16xi32>
    %slice3A_309 = vector.extract_strided_slice %get3A_308 {offsets = [0], sizes = [1], strides = [1]} : vector<16xi32> to vector<1xi32>
    %squeeze3A_310 = vector.extract %slice3A_309[0] : i32 from vector<1xi32>
    %lt3A_311 = arith.cmpi slt, %squeeze3A_310, %add3A_181 : i32
    %add3A_312 = arith.constant 1 : i32
    %add3A_313 = arith.addi %shift_right_arithmetic3A_305, %add3A_312 : i32
    %select_n3A_314 = arith.select %lt3A_311, %add3A_313, %select_n3A_301 : i32
    %select_n3A_315 = arith.select %lt3A_311, %select_n3A_302, %shift_right_arithmetic3A_305 : i32
    %add3A_316 = arith.addi %select_n3A_314, %select_n3A_315 : i32
    %shift_right_arithmetic3A_317 = arith.constant 1 : i32
    %shift_right_arithmetic3A_318 = arith.shrsi %add3A_316, %shift_right_arithmetic3A_317 : i32
    %get3A_319 = arith.index_cast %shift_right_arithmetic3A_318 : i32 to index
    %get3A_320 = tpu.vector_load %arg5[%get3A_319] {strides = array<i32>} : memref<10016xi32, #tpu.memory_space<vmem>>, vector<16xi32>,
    %get3A_321 = vector.shape_cast %get3A_320 : vector<16xi32> to vector<16xi32>
    %slice3A_322 = vector.extract_strided_slice %get3A_321 {offsets = [0], sizes = [1], strides = [1]} : vector<16xi32> to vector<1xi32>
    %squeeze3A_323 = vector.extract %slice3A_322[0] : i32 from vector<1xi32>
    %lt3A_324 = arith.cmpi slt, %squeeze3A_323, %add3A_181 : i32
    %add3A_325 = arith.constant 1 : i32
    %add3A_326 = arith.addi %shift_right_arithmetic3A_318, %add3A_325 : i32
    %select_n3A_327 = arith.select %lt3A_324, %add3A_326, %select_n3A_314 : i32
    %select_n3A_328 = arith.select %lt3A_324, %select_n3A_315, %shift_right_arithmetic3A_318 : i32
    %add3A_329 = arith.addi %select_n3A_327, %select_n3A_328 : i32
    %shift_right_arithmetic3A_330 = arith.constant 1 : i32
    %shift_right_arithmetic3A_331 = arith.shrsi %add3A_329, %shift_right_arithmetic3A_330 : i32
    %get3A_332 = arith.index_cast %shift_right_arithmetic3A_331 : i32 to index
    %get3A_333 = tpu.vector_load %arg5[%get3A_332] {strides = array<i32>} : memref<10016xi32, #tpu.memory_space<vmem>>, vector<16xi32>,
    %get3A_334 = vector.shape_cast %get3A_333 : vector<16xi32> to vector<16xi32>
    %slice3A_335 = vector.extract_strided_slice %get3A_334 {offsets = [0], sizes = [1], strides = [1]} : vector<16xi32> to vector<1xi32>
    %squeeze3A_336 = vector.extract %slice3A_335[0] : i32 from vector<1xi32>
    %lt3A_337 = arith.cmpi slt, %squeeze3A_336, %add3A_181 : i32
    %add3A_338 = arith.constant 1 : i32
    %add3A_339 = arith.addi %shift_right_arithmetic3A_331, %add3A_338 : i32
    %select_n3A_340 = arith.select %lt3A_337, %add3A_339, %select_n3A_327 : i32
    %select_n3A_341 = arith.select %lt3A_337, %select_n3A_328, %shift_right_arithmetic3A_331 : i32
    %add3A_342 = arith.addi %select_n3A_340, %select_n3A_341 : i32
    %shift_right_arithmetic3A_343 = arith.constant 1 : i32
    %shift_right_arithmetic3A_344 = arith.shrsi %add3A_342, %shift_right_arithmetic3A_343 : i32
    %get3A_345 = arith.index_cast %shift_right_arithmetic3A_344 : i32 to index
    %get3A_346 = tpu.vector_load %arg5[%get3A_345] {strides = array<i32>} : memref<10016xi32, #tpu.memory_space<vmem>>, vector<16xi32>,
    %get3A_347 = vector.shape_cast %get3A_346 : vector<16xi32> to vector<16xi32>
    %slice3A_348 = vector.extract_strided_slice %get3A_347 {offsets = [0], sizes = [1], strides = [1]} : vector<16xi32> to vector<1xi32>
    %squeeze3A_349 = vector.extract %slice3A_348[0] : i32 from vector<1xi32>
    %lt3A_350 = arith.cmpi slt, %squeeze3A_349, %add3A_181 : i32
    %add3A_351 = arith.constant 1 : i32
    %add3A_352 = arith.addi %shift_right_arithmetic3A_344, %add3A_351 : i32
    %select_n3A_353 = arith.select %lt3A_350, %add3A_352, %select_n3A_340 : i32
    %select_n3A_354 = arith.select %lt3A_350, %select_n3A_341, %shift_right_arithmetic3A_344 : i32
    %add3A_355 = arith.addi %select_n3A_353, %select_n3A_354 : i32
    %shift_right_arithmetic3A_356 = arith.constant 1 : i32
    %shift_right_arithmetic3A_357 = arith.shrsi %add3A_355, %shift_right_arithmetic3A_356 : i32
    %get3A_358 = arith.index_cast %shift_right_arithmetic3A_357 : i32 to index
    %get3A_359 = tpu.vector_load %arg5[%get3A_358] {strides = array<i32>} : memref<10016xi32, #tpu.memory_space<vmem>>, vector<16xi32>,
    %get3A_360 = vector.shape_cast %get3A_359 : vector<16xi32> to vector<16xi32>
    %slice3A_361 = vector.extract_strided_slice %get3A_360 {offsets = [0], sizes = [1], strides = [1]} : vector<16xi32> to vector<1xi32>
    %squeeze3A_362 = vector.extract %slice3A_361[0] : i32 from vector<1xi32>
    %lt3A_363 = arith.cmpi slt, %squeeze3A_362, %add3A_181 : i32
    %add3A_364 = arith.constant 1 : i32
    %add3A_365 = arith.addi %shift_right_arithmetic3A_357, %add3A_364 : i32
    %select_n3A_366 = arith.select %lt3A_363, %add3A_365, %select_n3A_353 : i32
    %select_n3A_367 = arith.select %lt3A_363, %select_n3A_354, %shift_right_arithmetic3A_357 : i32
    %sub3A = arith.subi %select_n3A_366, %select_n3A_178 : i32
    %add3A_368 = arith.constant 255 : i32
    %add3A_369 = arith.addi %sub3A, %add3A_368 : i32
    %jit3A_370 = arith.constant 256 : i32
    %div3A = arith.divsi %add3A_369, %jit3A_370 : i32
    %sign3A = arith.constant 0 : i32
    %sign3A_371 = arith.cmpi sgt, %add3A_369, %sign3A : i32
    %sign3A_372 = arith.extui %sign3A_371 : i1 to i32
    %sign3A_373 = arith.constant 0 : i32
    %sign3A_374 = arith.cmpi slt, %add3A_369, %sign3A_373 : i32
    %sign3A_375 = arith.extui %sign3A_374 : i1 to i32
    %sign3A_376 = arith.subi %sign3A_372, %sign3A_375 : i32
    %sign3A_377 = arith.constant 0 : i32
    %sign3A_378 = arith.cmpi sgt, %jit3A_370, %sign3A_377 : i32
    %sign3A_379 = arith.extui %sign3A_378 : i1 to i32
    %sign3A_380 = arith.constant 0 : i32
    %sign3A_381 = arith.cmpi slt, %jit3A_370, %sign3A_380 : i32
    %sign3A_382 = arith.extui %sign3A_381 : i1 to i32
    %sign3A_383 = arith.subi %sign3A_379, %sign3A_382 : i32
    %ne3A = arith.cmpi ne, %sign3A_376, %sign3A_383 : i32
    %rem3A = arith.remsi %add3A_369, %jit3A_370 : i32
    %ne3A_384 = arith.constant 0 : i32
    %ne3A_385 = arith.cmpi ne, %rem3A, %ne3A_384 : i32
    %and3A = arith.andi %ne3A, %ne3A_385 : i1
    %sub3A_386 = arith.constant 1 : i32
    %sub3A_387 = arith.subi %div3A, %sub3A_386 : i32
    %select_n3A_388 = arith.select %and3A, %sub3A_387, %div3A : i32
    %broadcast_in_dim3A = arith.constant 0.000000e+00 : f32
    %broadcast_in_dim3A_389 = vector.broadcast %broadcast_in_dim3A : f32 to vector<16xf32>
    %broadcast_in_dim3A_390 = arith.constant 0.000000e+00 : f32
    %broadcast_in_dim3A_391 = vector.broadcast %broadcast_in_dim3A_390 : f32 to vector<16xf32>
    %broadcast_in_dim3A_392 = arith.constant 0.000000e+00 : f32
    %broadcast_in_dim3A_393 = vector.broadcast %broadcast_in_dim3A_392 : f32 to vector<16xf32>
    %broadcast_in_dim3A_394 = arith.constant 0.000000e+00 : f32
    %broadcast_in_dim3A_395 = vector.broadcast %broadcast_in_dim3A_394 : f32 to vector<16xf32>
    %broadcast_in_dim3A_396 = arith.constant 0.000000e+00 : f32
    %broadcast_in_dim3A_397 = vector.broadcast %broadcast_in_dim3A_396 : f32 to vector<16xf32>
    %broadcast_in_dim3A_398 = arith.constant 0.000000e+00 : f32
    %broadcast_in_dim3A_399 = vector.broadcast %broadcast_in_dim3A_398 : f32 to vector<16xf32>
    %broadcast_in_dim3A_400 = arith.constant 0.000000e+00 : f32
    %broadcast_in_dim3A_401 = vector.broadcast %broadcast_in_dim3A_400 : f32 to vector<16xf32>
    %broadcast_in_dim3A_402 = arith.constant 0.000000e+00 : f32
    %broadcast_in_dim3A_403 = vector.broadcast %broadcast_in_dim3A_402 : f32 to vector<16xf32>
    %while3A = arith.constant 0 : i32
    %while3A_404 = arith.subi %select_n3A_388, %while3A : i32
    %while3A_405 = arith.addi %while3A, %while3A_404 : i32
    %while3A_406 = arith.constant 1 : i32
    %while3A_407 = arith.divsi %while3A_404, %while3A_406 : i32
    %while3A_408 = arith.muli %while3A_407, %while3A_406 : i32
    %while3A_409 = arith.addi %while3A, %while3A_408 : i32
    %while3A_410 = arith.constant 1 : i32
    %while3A_411:8 = scf.for %while3A_460 = %while3A to %while3A_409 step %while3A_410 iter_args(%while3A_461 = %broadcast_in_dim3A_389, %while3A_462 = %broadcast_in_dim3A_391, %while3A_463 = %broadcast_in_dim3A_393, %while3A_464 = %broadcast_in_dim3A_395, %while3A_465 = %broadcast_in_dim3A_397, %while3A_466 = %broadcast_in_dim3A_399, %while3A_467 = %broadcast_in_dim3A_401, %while3A_468 = %broadcast_in_dim3A_403) -> (vector<16xf32>, vector<16xf32>, vector<16xf32>, vector<16xf32>, vector<16xf32>, vector<16xf32>, vector<16xf32>, vector<16xf32>)  : i32 {
      %mul3A_469 = arith.constant 256 : i32
      %mul3A_470 = arith.muli %while3A_460, %mul3A_469 : i32
      %add3A_471 = arith.addi %select_n3A_178, %mul3A_470 : i32
      %min3A = arith.constant 9744 : i32
      %min3A_472 = arith.minsi %add3A_471, %min3A : i32
      %mul3A_473 = arith.constant 128 : i32
      %mul3A_474 = arith.muli %min3A_472, %mul3A_473 : i32
      "tpu.region"() ({
        %run_scoped3A = tpu.sem_alloc : memref<!tpu.dma_semaphore, #tpu.memory_space<semaphore_mem>>
        %dma_start3A = tpu.memref_slice %arg2[%mul3A_474] : memref<1280000xf32, #tpu.memory_space<hbm>> -> memref<32768xf32, #tpu.memory_space<hbm>>
        %dma_start3A_491 = tpu.memref_slice %arg2[%mul3A_474] : memref<1280000xf32, #tpu.memory_space<hbm>> -> memref<32768xf32, #tpu.memory_space<hbm>>
        tpu.enqueue_dma source(%dma_start3A_491 : memref<32768xf32, #tpu.memory_space<hbm>>) target(%arg6 : memref<32768xf32, #tpu.memory_space<vmem>>) target_semaphore(%run_scoped3A : memref<!tpu.dma_semaphore, #tpu.memory_space<semaphore_mem>>)
        %dma_wait3A = tpu.memref_slice %arg2[%mul3A_474] : memref<1280000xf32, #tpu.memory_space<hbm>> -> memref<32768xf32, #tpu.memory_space<hbm>>
        %dma_wait3A_492 = tpu.memref_slice %arg2[%mul3A_474] : memref<1280000xf32, #tpu.memory_space<hbm>> -> memref<32768xf32, #tpu.memory_space<hbm>>
        tpu.wait_dma2 semaphore(%run_scoped3A : memref<!tpu.dma_semaphore, #tpu.memory_space<semaphore_mem>>) src(%dma_wait3A_492 : memref<32768xf32, #tpu.memory_space<hbm>>) dst(%arg6 : memref<32768xf32, #tpu.memory_space<vmem>>)
        tpu.yield
      }) : () -> ()
      %max3A_475 = arith.maxsi %select_n3A_178, %min3A_472 : i32
      %sub3A_476 = arith.subi %max3A_475, %min3A_472 : i32
      %add3A_477 = arith.constant 256 : i32
      %add3A_478 = arith.addi %min3A_472, %add3A_477 : i32
      %min3A_479 = arith.minsi %select_n3A_366, %add3A_478 : i32
      %sub3A_480 = arith.subi %min3A_479, %min3A_472 : i32
      %while3A_481 = arith.subi %sub3A_480, %sub3A_476 : i32
      %while3A_482 = arith.addi %sub3A_476, %while3A_481 : i32
      %while3A_483 = arith.constant 1 : i32
      %while3A_484 = arith.divsi %while3A_481, %while3A_483 : i32
      %while3A_485 = arith.muli %while3A_484, %while3A_483 : i32
      %while3A_486 = arith.addi %sub3A_476, %while3A_485 : i32
      %while3A_487 = arith.constant 1 : i32
      %while3A_488:8 = scf.for %while3A_491 = %sub3A_476 to %while3A_486 step %while3A_487 iter_args(%while3A_492 = %while3A_461, %while3A_493 = %while3A_462, %while3A_494 = %while3A_463, %while3A_495 = %while3A_464, %while3A_496 = %while3A_465, %while3A_497 = %while3A_466, %while3A_498 = %while3A_467, %while3A_499 = %while3A_468) -> (vector<16xf32>, vector<16xf32>, vector<16xf32>, vector<16xf32>, vector<16xf32>, vector<16xf32>, vector<16xf32>, vector<16xf32>)  : i32 {
        %mul3A_500 = arith.constant 128 : i32
        %mul3A_501 = arith.muli %while3A_491, %mul3A_500 : i32
        %add3A_502 = arith.constant 0 : i32
        %add3A_503 = arith.addi %mul3A_501, %add3A_502 : i32
        %get3A_504 = arith.index_cast %add3A_503 : i32 to index
        %get3A_505 = tpu.vector_load %arg6[%get3A_504] {strides = array<i32>} : memref<32768xf32, #tpu.memory_space<vmem>>, vector<16xf32>,
        %get3A_506 = vector.shape_cast %get3A_505 : vector<16xf32> to vector<16xf32>
        %add3A_507 = arith.addf %while3A_492, %get3A_506 : vector<16xf32>
        %mul3A_508 = arith.constant 128 : i32
        %mul3A_509 = arith.muli %while3A_491, %mul3A_508 : i32
        %add3A_510 = arith.constant 16 : i32
        %add3A_511 = arith.addi %mul3A_509, %add3A_510 : i32
        %get3A_512 = arith.index_cast %add3A_511 : i32 to index
        %get3A_513 = tpu.vector_load %arg6[%get3A_512] {strides = array<i32>} : memref<32768xf32, #tpu.memory_space<vmem>>, vector<16xf32>,
        %get3A_514 = vector.shape_cast %get3A_513 : vector<16xf32> to vector<16xf32>
        %add3A_515 = arith.addf %while3A_493, %get3A_514 : vector<16xf32>
        %mul3A_516 = arith.constant 128 : i32
        %mul3A_517 = arith.muli %while3A_491, %mul3A_516 : i32
        %add3A_518 = arith.constant 32 : i32
        %add3A_519 = arith.addi %mul3A_517, %add3A_518 : i32
        %get3A_520 = arith.index_cast %add3A_519 : i32 to index
        %get3A_521 = tpu.vector_load %arg6[%get3A_520] {strides = array<i32>} : memref<32768xf32, #tpu.memory_space<vmem>>, vector<16xf32>,
        %get3A_522 = vector.shape_cast %get3A_521 : vector<16xf32> to vector<16xf32>
        %add3A_523 = arith.addf %while3A_494, %get3A_522 : vector<16xf32>
        %mul3A_524 = arith.constant 128 : i32
        %mul3A_525 = arith.muli %while3A_491, %mul3A_524 : i32
        %add3A_526 = arith.constant 48 : i32
        %add3A_527 = arith.addi %mul3A_525, %add3A_526 : i32
        %get3A_528 = arith.index_cast %add3A_527 : i32 to index
        %get3A_529 = tpu.vector_load %arg6[%get3A_528] {strides = array<i32>} : memref<32768xf32, #tpu.memory_space<vmem>>, vector<16xf32>,
        %get3A_530 = vector.shape_cast %get3A_529 : vector<16xf32> to vector<16xf32>
        %add3A_531 = arith.addf %while3A_495, %get3A_530 : vector<16xf32>
        %mul3A_532 = arith.constant 128 : i32
        %mul3A_533 = arith.muli %while3A_491, %mul3A_532 : i32
        %add3A_534 = arith.constant 64 : i32
        %add3A_535 = arith.addi %mul3A_533, %add3A_534 : i32
        %get3A_536 = arith.index_cast %add3A_535 : i32 to index
        %get3A_537 = tpu.vector_load %arg6[%get3A_536] {strides = array<i32>} : memref<32768xf32, #tpu.memory_space<vmem>>, vector<16xf32>,
        %get3A_538 = vector.shape_cast %get3A_537 : vector<16xf32> to vector<16xf32>
        %add3A_539 = arith.addf %while3A_496, %get3A_538 : vector<16xf32>
        %mul3A_540 = arith.constant 128 : i32
        %mul3A_541 = arith.muli %while3A_491, %mul3A_540 : i32
        %add3A_542 = arith.constant 80 : i32
        %add3A_543 = arith.addi %mul3A_541, %add3A_542 : i32
        %get3A_544 = arith.index_cast %add3A_543 : i32 to index
        %get3A_545 = tpu.vector_load %arg6[%get3A_544] {strides = array<i32>} : memref<32768xf32, #tpu.memory_space<vmem>>, vector<16xf32>,
        %get3A_546 = vector.shape_cast %get3A_545 : vector<16xf32> to vector<16xf32>
        %add3A_547 = arith.addf %while3A_497, %get3A_546 : vector<16xf32>
        %mul3A_548 = arith.constant 128 : i32
        %mul3A_549 = arith.muli %while3A_491, %mul3A_548 : i32
        %add3A_550 = arith.constant 96 : i32
        %add3A_551 = arith.addi %mul3A_549, %add3A_550 : i32
        %get3A_552 = arith.index_cast %add3A_551 : i32 to index
        %get3A_553 = tpu.vector_load %arg6[%get3A_552] {strides = array<i32>} : memref<32768xf32, #tpu.memory_space<vmem>>, vector<16xf32>,
        %get3A_554 = vector.shape_cast %get3A_553 : vector<16xf32> to vector<16xf32>
        %add3A_555 = arith.addf %while3A_498, %get3A_554 : vector<16xf32>
        %mul3A_556 = arith.constant 128 : i32
        %mul3A_557 = arith.muli %while3A_491, %mul3A_556 : i32
        %add3A_558 = arith.constant 112 : i32
        %add3A_559 = arith.addi %mul3A_557, %add3A_558 : i32
        %get3A_560 = arith.index_cast %add3A_559 : i32 to index
        %get3A_561 = tpu.vector_load %arg6[%get3A_560] {strides = array<i32>} : memref<32768xf32, #tpu.memory_space<vmem>>, vector<16xf32>,
        %get3A_562 = vector.shape_cast %get3A_561 : vector<16xf32> to vector<16xf32>
        %add3A_563 = arith.addf %while3A_499, %get3A_562 : vector<16xf32>
        scf.yield %add3A_507, %add3A_515, %add3A_523, %add3A_531, %add3A_539, %add3A_547, %add3A_555, %add3A_563 : vector<16xf32>, vector<16xf32>, vector<16xf32>, vector<16xf32>, vector<16xf32>, vector<16xf32>, vector<16xf32>, vector<16xf32>
      }
      %while3A_489 = arith.constant 1 : i32
      %while3A_490:8 = scf.for %while3A_491 = %while3A_486 to %while3A_482 step %while3A_489 iter_args(%while3A_492 = %while3A_488#0, %while3A_493 = %while3A_488#1, %while3A_494 = %while3A_488#2, %while3A_495 = %while3A_488#3, %while3A_496 = %while3A_488#4, %while3A_497 = %while3A_488#5, %while3A_498 = %while3A_488#6, %while3A_499 = %while3A_488#7) -> (vector<16xf32>, vector<16xf32>, vector<16xf32>, vector<16xf32>, vector<16xf32>, vector<16xf32>, vector<16xf32>, vector<16xf32>)  : i32 {
        %mul3A_500 = arith.constant 128 : i32
        %mul3A_501 = arith.muli %while3A_491, %mul3A_500 : i32
        %add3A_502 = arith.constant 0 : i32
        %add3A_503 = arith.addi %mul3A_501, %add3A_502 : i32
        %get3A_504 = arith.index_cast %add3A_503 : i32 to index
        %get3A_505 = tpu.vector_load %arg6[%get3A_504] {strides = array<i32>} : memref<32768xf32, #tpu.memory_space<vmem>>, vector<16xf32>,
        %get3A_506 = vector.shape_cast %get3A_505 : vector<16xf32> to vector<16xf32>
        %add3A_507 = arith.addf %while3A_492, %get3A_506 : vector<16xf32>
        %mul3A_508 = arith.constant 128 : i32
        %mul3A_509 = arith.muli %while3A_491, %mul3A_508 : i32
        %add3A_510 = arith.constant 16 : i32
        %add3A_511 = arith.addi %mul3A_509, %add3A_510 : i32
        %get3A_512 = arith.index_cast %add3A_511 : i32 to index
        %get3A_513 = tpu.vector_load %arg6[%get3A_512] {strides = array<i32>} : memref<32768xf32, #tpu.memory_space<vmem>>, vector<16xf32>,
        %get3A_514 = vector.shape_cast %get3A_513 : vector<16xf32> to vector<16xf32>
        %add3A_515 = arith.addf %while3A_493, %get3A_514 : vector<16xf32>
        %mul3A_516 = arith.constant 128 : i32
        %mul3A_517 = arith.muli %while3A_491, %mul3A_516 : i32
        %add3A_518 = arith.constant 32 : i32
        %add3A_519 = arith.addi %mul3A_517, %add3A_518 : i32
        %get3A_520 = arith.index_cast %add3A_519 : i32 to index
        %get3A_521 = tpu.vector_load %arg6[%get3A_520] {strides = array<i32>} : memref<32768xf32, #tpu.memory_space<vmem>>, vector<16xf32>,
        %get3A_522 = vector.shape_cast %get3A_521 : vector<16xf32> to vector<16xf32>
        %add3A_523 = arith.addf %while3A_494, %get3A_522 : vector<16xf32>
        %mul3A_524 = arith.constant 128 : i32
        %mul3A_525 = arith.muli %while3A_491, %mul3A_524 : i32
        %add3A_526 = arith.constant 48 : i32
        %add3A_527 = arith.addi %mul3A_525, %add3A_526 : i32
        %get3A_528 = arith.index_cast %add3A_527 : i32 to index
        %get3A_529 = tpu.vector_load %arg6[%get3A_528] {strides = array<i32>} : memref<32768xf32, #tpu.memory_space<vmem>>, vector<16xf32>,
        %get3A_530 = vector.shape_cast %get3A_529 : vector<16xf32> to vector<16xf32>
        %add3A_531 = arith.addf %while3A_495, %get3A_530 : vector<16xf32>
        %mul3A_532 = arith.constant 128 : i32
        %mul3A_533 = arith.muli %while3A_491, %mul3A_532 : i32
        %add3A_534 = arith.constant 64 : i32
        %add3A_535 = arith.addi %mul3A_533, %add3A_534 : i32
        %get3A_536 = arith.index_cast %add3A_535 : i32 to index
        %get3A_537 = tpu.vector_load %arg6[%get3A_536] {strides = array<i32>} : memref<32768xf32, #tpu.memory_space<vmem>>, vector<16xf32>,
        %get3A_538 = vector.shape_cast %get3A_537 : vector<16xf32> to vector<16xf32>
        %add3A_539 = arith.addf %while3A_496, %get3A_538 : vector<16xf32>
        %mul3A_540 = arith.constant 128 : i32
        %mul3A_541 = arith.muli %while3A_491, %mul3A_540 : i32
        %add3A_542 = arith.constant 80 : i32
        %add3A_543 = arith.addi %mul3A_541, %add3A_542 : i32
        %get3A_544 = arith.index_cast %add3A_543 : i32 to index
        %get3A_545 = tpu.vector_load %arg6[%get3A_544] {strides = array<i32>} : memref<32768xf32, #tpu.memory_space<vmem>>, vector<16xf32>,
        %get3A_546 = vector.shape_cast %get3A_545 : vector<16xf32> to vector<16xf32>
        %add3A_547 = arith.addf %while3A_497, %get3A_546 : vector<16xf32>
        %mul3A_548 = arith.constant 128 : i32
        %mul3A_549 = arith.muli %while3A_491, %mul3A_548 : i32
        %add3A_550 = arith.constant 96 : i32
        %add3A_551 = arith.addi %mul3A_549, %add3A_550 : i32
        %get3A_552 = arith.index_cast %add3A_551 : i32 to index
        %get3A_553 = tpu.vector_load %arg6[%get3A_552] {strides = array<i32>} : memref<32768xf32, #tpu.memory_space<vmem>>, vector<16xf32>,
        %get3A_554 = vector.shape_cast %get3A_553 : vector<16xf32> to vector<16xf32>
        %add3A_555 = arith.addf %while3A_498, %get3A_554 : vector<16xf32>
        %mul3A_556 = arith.constant 128 : i32
        %mul3A_557 = arith.muli %while3A_491, %mul3A_556 : i32
        %add3A_558 = arith.constant 112 : i32
        %add3A_559 = arith.addi %mul3A_557, %add3A_558 : i32
        %get3A_560 = arith.index_cast %add3A_559 : i32 to index
        %get3A_561 = tpu.vector_load %arg6[%get3A_560] {strides = array<i32>} : memref<32768xf32, #tpu.memory_space<vmem>>, vector<16xf32>,
        %get3A_562 = vector.shape_cast %get3A_561 : vector<16xf32> to vector<16xf32>
        %add3A_563 = arith.addf %while3A_499, %get3A_562 : vector<16xf32>
        scf.yield %add3A_507, %add3A_515, %add3A_523, %add3A_531, %add3A_539, %add3A_547, %add3A_555, %add3A_563 : vector<16xf32>, vector<16xf32>, vector<16xf32>, vector<16xf32>, vector<16xf32>, vector<16xf32>, vector<16xf32>, vector<16xf32>
      }
      scf.yield %while3A_490#0, %while3A_490#1, %while3A_490#2, %while3A_490#3, %while3A_490#4, %while3A_490#5, %while3A_490#6, %while3A_490#7 : vector<16xf32>, vector<16xf32>, vector<16xf32>, vector<16xf32>, vector<16xf32>, vector<16xf32>, vector<16xf32>, vector<16xf32>
    }
    %while3A_412 = arith.constant 1 : i32
    %while3A_413:8 = scf.for %while3A_460 = %while3A_409 to %while3A_405 step %while3A_412 iter_args(%while3A_461 = %while3A_411#0, %while3A_462 = %while3A_411#1, %while3A_463 = %while3A_411#2, %while3A_464 = %while3A_411#3, %while3A_465 = %while3A_411#4, %while3A_466 = %while3A_411#5, %while3A_467 = %while3A_411#6, %while3A_468 = %while3A_411#7) -> (vector<16xf32>, vector<16xf32>, vector<16xf32>, vector<16xf32>, vector<16xf32>, vector<16xf32>, vector<16xf32>, vector<16xf32>)  : i32 {
      %mul3A_469 = arith.constant 256 : i32
      %mul3A_470 = arith.muli %while3A_460, %mul3A_469 : i32
      %add3A_471 = arith.addi %select_n3A_178, %mul3A_470 : i32
      %min3A = arith.constant 9744 : i32
      %min3A_472 = arith.minsi %add3A_471, %min3A : i32
      %mul3A_473 = arith.constant 128 : i32
      %mul3A_474 = arith.muli %min3A_472, %mul3A_473 : i32
      "tpu.region"() ({
        %run_scoped3A = tpu.sem_alloc : memref<!tpu.dma_semaphore, #tpu.memory_space<semaphore_mem>>
        %dma_start3A = tpu.memref_slice %arg2[%mul3A_474] : memref<1280000xf32, #tpu.memory_space<hbm>> -> memref<32768xf32, #tpu.memory_space<hbm>>
        %dma_start3A_491 = tpu.memref_slice %arg2[%mul3A_474] : memref<1280000xf32, #tpu.memory_space<hbm>> -> memref<32768xf32, #tpu.memory_space<hbm>>
        tpu.enqueue_dma source(%dma_start3A_491 : memref<32768xf32, #tpu.memory_space<hbm>>) target(%arg6 : memref<32768xf32, #tpu.memory_space<vmem>>) target_semaphore(%run_scoped3A : memref<!tpu.dma_semaphore, #tpu.memory_space<semaphore_mem>>)
        %dma_wait3A = tpu.memref_slice %arg2[%mul3A_474] : memref<1280000xf32, #tpu.memory_space<hbm>> -> memref<32768xf32, #tpu.memory_space<hbm>>
        %dma_wait3A_492 = tpu.memref_slice %arg2[%mul3A_474] : memref<1280000xf32, #tpu.memory_space<hbm>> -> memref<32768xf32, #tpu.memory_space<hbm>>
        tpu.wait_dma2 semaphore(%run_scoped3A : memref<!tpu.dma_semaphore, #tpu.memory_space<semaphore_mem>>) src(%dma_wait3A_492 : memref<32768xf32, #tpu.memory_space<hbm>>) dst(%arg6 : memref<32768xf32, #tpu.memory_space<vmem>>)
        tpu.yield
      }) : () -> ()
      %max3A_475 = arith.maxsi %select_n3A_178, %min3A_472 : i32
      %sub3A_476 = arith.subi %max3A_475, %min3A_472 : i32
      %add3A_477 = arith.constant 256 : i32
      %add3A_478 = arith.addi %min3A_472, %add3A_477 : i32
      %min3A_479 = arith.minsi %select_n3A_366, %add3A_478 : i32
      %sub3A_480 = arith.subi %min3A_479, %min3A_472 : i32
      %while3A_481 = arith.subi %sub3A_480, %sub3A_476 : i32
      %while3A_482 = arith.addi %sub3A_476, %while3A_481 : i32
      %while3A_483 = arith.constant 1 : i32
      %while3A_484 = arith.divsi %while3A_481, %while3A_483 : i32
      %while3A_485 = arith.muli %while3A_484, %while3A_483 : i32
      %while3A_486 = arith.addi %sub3A_476, %while3A_485 : i32
      %while3A_487 = arith.constant 1 : i32
      %while3A_488:8 = scf.for %while3A_491 = %sub3A_476 to %while3A_486 step %while3A_487 iter_args(%while3A_492 = %while3A_461, %while3A_493 = %while3A_462, %while3A_494 = %while3A_463, %while3A_495 = %while3A_464, %while3A_496 = %while3A_465, %while3A_497 = %while3A_466, %while3A_498 = %while3A_467, %while3A_499 = %while3A_468) -> (vector<16xf32>, vector<16xf32>, vector<16xf32>, vector<16xf32>, vector<16xf32>, vector<16xf32>, vector<16xf32>, vector<16xf32>)  : i32 {
        %mul3A_500 = arith.constant 128 : i32
        %mul3A_501 = arith.muli %while3A_491, %mul3A_500 : i32
        %add3A_502 = arith.constant 0 : i32
        %add3A_503 = arith.addi %mul3A_501, %add3A_502 : i32
        %get3A_504 = arith.index_cast %add3A_503 : i32 to index
        %get3A_505 = tpu.vector_load %arg6[%get3A_504] {strides = array<i32>} : memref<32768xf32, #tpu.memory_space<vmem>>, vector<16xf32>,
        %get3A_506 = vector.shape_cast %get3A_505 : vector<16xf32> to vector<16xf32>
        %add3A_507 = arith.addf %while3A_492, %get3A_506 : vector<16xf32>
        %mul3A_508 = arith.constant 128 : i32
        %mul3A_509 = arith.muli %while3A_491, %mul3A_508 : i32
        %add3A_510 = arith.constant 16 : i32
        %add3A_511 = arith.addi %mul3A_509, %add3A_510 : i32
        %get3A_512 = arith.index_cast %add3A_511 : i32 to index
        %get3A_513 = tpu.vector_load %arg6[%get3A_512] {strides = array<i32>} : memref<32768xf32, #tpu.memory_space<vmem>>, vector<16xf32>,
        %get3A_514 = vector.shape_cast %get3A_513 : vector<16xf32> to vector<16xf32>
        %add3A_515 = arith.addf %while3A_493, %get3A_514 : vector<16xf32>
        %mul3A_516 = arith.constant 128 : i32
        %mul3A_517 = arith.muli %while3A_491, %mul3A_516 : i32
        %add3A_518 = arith.constant 32 : i32
        %add3A_519 = arith.addi %mul3A_517, %add3A_518 : i32
        %get3A_520 = arith.index_cast %add3A_519 : i32 to index
        %get3A_521 = tpu.vector_load %arg6[%get3A_520] {strides = array<i32>} : memref<32768xf32, #tpu.memory_space<vmem>>, vector<16xf32>,
        %get3A_522 = vector.shape_cast %get3A_521 : vector<16xf32> to vector<16xf32>
        %add3A_523 = arith.addf %while3A_494, %get3A_522 : vector<16xf32>
        %mul3A_524 = arith.constant 128 : i32
        %mul3A_525 = arith.muli %while3A_491, %mul3A_524 : i32
        %add3A_526 = arith.constant 48 : i32
        %add3A_527 = arith.addi %mul3A_525, %add3A_526 : i32
        %get3A_528 = arith.index_cast %add3A_527 : i32 to index
        %get3A_529 = tpu.vector_load %arg6[%get3A_528] {strides = array<i32>} : memref<32768xf32, #tpu.memory_space<vmem>>, vector<16xf32>,
        %get3A_530 = vector.shape_cast %get3A_529 : vector<16xf32> to vector<16xf32>
        %add3A_531 = arith.addf %while3A_495, %get3A_530 : vector<16xf32>
        %mul3A_532 = arith.constant 128 : i32
        %mul3A_533 = arith.muli %while3A_491, %mul3A_532 : i32
        %add3A_534 = arith.constant 64 : i32
        %add3A_535 = arith.addi %mul3A_533, %add3A_534 : i32
        %get3A_536 = arith.index_cast %add3A_535 : i32 to index
        %get3A_537 = tpu.vector_load %arg6[%get3A_536] {strides = array<i32>} : memref<32768xf32, #tpu.memory_space<vmem>>, vector<16xf32>,
        %get3A_538 = vector.shape_cast %get3A_537 : vector<16xf32> to vector<16xf32>
        %add3A_539 = arith.addf %while3A_496, %get3A_538 : vector<16xf32>
        %mul3A_540 = arith.constant 128 : i32
        %mul3A_541 = arith.muli %while3A_491, %mul3A_540 : i32
        %add3A_542 = arith.constant 80 : i32
        %add3A_543 = arith.addi %mul3A_541, %add3A_542 : i32
        %get3A_544 = arith.index_cast %add3A_543 : i32 to index
        %get3A_545 = tpu.vector_load %arg6[%get3A_544] {strides = array<i32>} : memref<32768xf32, #tpu.memory_space<vmem>>, vector<16xf32>,
        %get3A_546 = vector.shape_cast %get3A_545 : vector<16xf32> to vector<16xf32>
        %add3A_547 = arith.addf %while3A_497, %get3A_546 : vector<16xf32>
        %mul3A_548 = arith.constant 128 : i32
        %mul3A_549 = arith.muli %while3A_491, %mul3A_548 : i32
        %add3A_550 = arith.constant 96 : i32
        %add3A_551 = arith.addi %mul3A_549, %add3A_550 : i32
        %get3A_552 = arith.index_cast %add3A_551 : i32 to index
        %get3A_553 = tpu.vector_load %arg6[%get3A_552] {strides = array<i32>} : memref<32768xf32, #tpu.memory_space<vmem>>, vector<16xf32>,
        %get3A_554 = vector.shape_cast %get3A_553 : vector<16xf32> to vector<16xf32>
        %add3A_555 = arith.addf %while3A_498, %get3A_554 : vector<16xf32>
        %mul3A_556 = arith.constant 128 : i32
        %mul3A_557 = arith.muli %while3A_491, %mul3A_556 : i32
        %add3A_558 = arith.constant 112 : i32
        %add3A_559 = arith.addi %mul3A_557, %add3A_558 : i32
        %get3A_560 = arith.index_cast %add3A_559 : i32 to index
        %get3A_561 = tpu.vector_load %arg6[%get3A_560] {strides = array<i32>} : memref<32768xf32, #tpu.memory_space<vmem>>, vector<16xf32>,
        %get3A_562 = vector.shape_cast %get3A_561 : vector<16xf32> to vector<16xf32>
        %add3A_563 = arith.addf %while3A_499, %get3A_562 : vector<16xf32>
        scf.yield %add3A_507, %add3A_515, %add3A_523, %add3A_531, %add3A_539, %add3A_547, %add3A_555, %add3A_563 : vector<16xf32>, vector<16xf32>, vector<16xf32>, vector<16xf32>, vector<16xf32>, vector<16xf32>, vector<16xf32>, vector<16xf32>
      }
      %while3A_489 = arith.constant 1 : i32
      %while3A_490:8 = scf.for %while3A_491 = %while3A_486 to %while3A_482 step %while3A_489 iter_args(%while3A_492 = %while3A_488#0, %while3A_493 = %while3A_488#1, %while3A_494 = %while3A_488#2, %while3A_495 = %while3A_488#3, %while3A_496 = %while3A_488#4, %while3A_497 = %while3A_488#5, %while3A_498 = %while3A_488#6, %while3A_499 = %while3A_488#7) -> (vector<16xf32>, vector<16xf32>, vector<16xf32>, vector<16xf32>, vector<16xf32>, vector<16xf32>, vector<16xf32>, vector<16xf32>)  : i32 {
        %mul3A_500 = arith.constant 128 : i32
        %mul3A_501 = arith.muli %while3A_491, %mul3A_500 : i32
        %add3A_502 = arith.constant 0 : i32
        %add3A_503 = arith.addi %mul3A_501, %add3A_502 : i32
        %get3A_504 = arith.index_cast %add3A_503 : i32 to index
        %get3A_505 = tpu.vector_load %arg6[%get3A_504] {strides = array<i32>} : memref<32768xf32, #tpu.memory_space<vmem>>, vector<16xf32>,
        %get3A_506 = vector.shape_cast %get3A_505 : vector<16xf32> to vector<16xf32>
        %add3A_507 = arith.addf %while3A_492, %get3A_506 : vector<16xf32>
        %mul3A_508 = arith.constant 128 : i32
        %mul3A_509 = arith.muli %while3A_491, %mul3A_508 : i32
        %add3A_510 = arith.constant 16 : i32
        %add3A_511 = arith.addi %mul3A_509, %add3A_510 : i32
        %get3A_512 = arith.index_cast %add3A_511 : i32 to index
        %get3A_513 = tpu.vector_load %arg6[%get3A_512] {strides = array<i32>} : memref<32768xf32, #tpu.memory_space<vmem>>, vector<16xf32>,
        %get3A_514 = vector.shape_cast %get3A_513 : vector<16xf32> to vector<16xf32>
        %add3A_515 = arith.addf %while3A_493, %get3A_514 : vector<16xf32>
        %mul3A_516 = arith.constant 128 : i32
        %mul3A_517 = arith.muli %while3A_491, %mul3A_516 : i32
        %add3A_518 = arith.constant 32 : i32
        %add3A_519 = arith.addi %mul3A_517, %add3A_518 : i32
        %get3A_520 = arith.index_cast %add3A_519 : i32 to index
        %get3A_521 = tpu.vector_load %arg6[%get3A_520] {strides = array<i32>} : memref<32768xf32, #tpu.memory_space<vmem>>, vector<16xf32>,
        %get3A_522 = vector.shape_cast %get3A_521 : vector<16xf32> to vector<16xf32>
        %add3A_523 = arith.addf %while3A_494, %get3A_522 : vector<16xf32>
        %mul3A_524 = arith.constant 128 : i32
        %mul3A_525 = arith.muli %while3A_491, %mul3A_524 : i32
        %add3A_526 = arith.constant 48 : i32
        %add3A_527 = arith.addi %mul3A_525, %add3A_526 : i32
        %get3A_528 = arith.index_cast %add3A_527 : i32 to index
        %get3A_529 = tpu.vector_load %arg6[%get3A_528] {strides = array<i32>} : memref<32768xf32, #tpu.memory_space<vmem>>, vector<16xf32>,
        %get3A_530 = vector.shape_cast %get3A_529 : vector<16xf32> to vector<16xf32>
        %add3A_531 = arith.addf %while3A_495, %get3A_530 : vector<16xf32>
        %mul3A_532 = arith.constant 128 : i32
        %mul3A_533 = arith.muli %while3A_491, %mul3A_532 : i32
        %add3A_534 = arith.constant 64 : i32
        %add3A_535 = arith.addi %mul3A_533, %add3A_534 : i32
        %get3A_536 = arith.index_cast %add3A_535 : i32 to index
        %get3A_537 = tpu.vector_load %arg6[%get3A_536] {strides = array<i32>} : memref<32768xf32, #tpu.memory_space<vmem>>, vector<16xf32>,
        %get3A_538 = vector.shape_cast %get3A_537 : vector<16xf32> to vector<16xf32>
        %add3A_539 = arith.addf %while3A_496, %get3A_538 : vector<16xf32>
        %mul3A_540 = arith.constant 128 : i32
        %mul3A_541 = arith.muli %while3A_491, %mul3A_540 : i32
        %add3A_542 = arith.constant 80 : i32
        %add3A_543 = arith.addi %mul3A_541, %add3A_542 : i32
        %get3A_544 = arith.index_cast %add3A_543 : i32 to index
        %get3A_545 = tpu.vector_load %arg6[%get3A_544] {strides = array<i32>} : memref<32768xf32, #tpu.memory_space<vmem>>, vector<16xf32>,
        %get3A_546 = vector.shape_cast %get3A_545 : vector<16xf32> to vector<16xf32>
        %add3A_547 = arith.addf %while3A_497, %get3A_546 : vector<16xf32>
        %mul3A_548 = arith.constant 128 : i32
        %mul3A_549 = arith.muli %while3A_491, %mul3A_548 : i32
        %add3A_550 = arith.constant 96 : i32
        %add3A_551 = arith.addi %mul3A_549, %add3A_550 : i32
        %get3A_552 = arith.index_cast %add3A_551 : i32 to index
        %get3A_553 = tpu.vector_load %arg6[%get3A_552] {strides = array<i32>} : memref<32768xf32, #tpu.memory_space<vmem>>, vector<16xf32>,
        %get3A_554 = vector.shape_cast %get3A_553 : vector<16xf32> to vector<16xf32>
        %add3A_555 = arith.addf %while3A_498, %get3A_554 : vector<16xf32>
        %mul3A_556 = arith.constant 128 : i32
        %mul3A_557 = arith.muli %while3A_491, %mul3A_556 : i32
        %add3A_558 = arith.constant 112 : i32
        %add3A_559 = arith.addi %mul3A_557, %add3A_558 : i32
        %get3A_560 = arith.index_cast %add3A_559 : i32 to index
        %get3A_561 = tpu.vector_load %arg6[%get3A_560] {strides = array<i32>} : memref<32768xf32, #tpu.memory_space<vmem>>, vector<16xf32>,
        %get3A_562 = vector.shape_cast %get3A_561 : vector<16xf32> to vector<16xf32>
        %add3A_563 = arith.addf %while3A_499, %get3A_562 : vector<16xf32>
        scf.yield %add3A_507, %add3A_515, %add3A_523, %add3A_531, %add3A_539, %add3A_547, %add3A_555, %add3A_563 : vector<16xf32>, vector<16xf32>, vector<16xf32>, vector<16xf32>, vector<16xf32>, vector<16xf32>, vector<16xf32>, vector<16xf32>
      }
      scf.yield %while3A_490#0, %while3A_490#1, %while3A_490#2, %while3A_490#3, %while3A_490#4, %while3A_490#5, %while3A_490#6, %while3A_490#7 : vector<16xf32>, vector<16xf32>, vector<16xf32>, vector<16xf32>, vector<16xf32>, vector<16xf32>, vector<16xf32>, vector<16xf32>
    }
    %max3A = arith.constant 1 : i32
    %max3A_414 = arith.maxsi %sub3A, %max3A : i32
    %convert_element_type3A = arith.sitofp %max3A_414 : i32 to f32
    %broadcast_in_dim3A_415 = vector.broadcast %convert_element_type3A : f32 to vector<16xf32>
    %div3A_416 = arith.constant 1.000000e+00 : f32
    %div3A_417 = vector.broadcast %div3A_416 : f32 to vector<16xf32>
    %div3A_418 = arith.divf %div3A_417, %broadcast_in_dim3A_415 : vector<16xf32>
    %mul3A_419 = arith.mulf %while3A_413#0, %div3A_418 : vector<16xf32>
    %swap3A = arith.constant 0 : index
    %swap3A_420 = tpu.vector_load %arg7[%swap3A] {strides = array<i32>} : memref<128xf32, #tpu.memory_space<vmem>>, vector<16xf32>,
    %swap3A_421 = vector.shape_cast %swap3A_420 : vector<16xf32> to vector<16xf32>
    %swap3A_422 = vector.shape_cast %mul3A_419 : vector<16xf32> to vector<16xf32>
    tpu.vector_store %arg7[%swap3A], %swap3A_422 {strides = array<i32>} : memref<128xf32, #tpu.memory_space<vmem>>, vector<16xf32>,
    %mul3A_423 = arith.mulf %while3A_413#1, %div3A_418 : vector<16xf32>
    %swap3A_424 = arith.constant 16 : index
    %swap3A_425 = tpu.vector_load %arg7[%swap3A_424] {strides = array<i32>} : memref<128xf32, #tpu.memory_space<vmem>>, vector<16xf32>,
    %swap3A_426 = vector.shape_cast %swap3A_425 : vector<16xf32> to vector<16xf32>
    %swap3A_427 = vector.shape_cast %mul3A_423 : vector<16xf32> to vector<16xf32>
    tpu.vector_store %arg7[%swap3A_424], %swap3A_427 {strides = array<i32>} : memref<128xf32, #tpu.memory_space<vmem>>, vector<16xf32>,
    %mul3A_428 = arith.mulf %while3A_413#2, %div3A_418 : vector<16xf32>
    %swap3A_429 = arith.constant 32 : index
    %swap3A_430 = tpu.vector_load %arg7[%swap3A_429] {strides = array<i32>} : memref<128xf32, #tpu.memory_space<vmem>>, vector<16xf32>,
    %swap3A_431 = vector.shape_cast %swap3A_430 : vector<16xf32> to vector<16xf32>
    %swap3A_432 = vector.shape_cast %mul3A_428 : vector<16xf32> to vector<16xf32>
    tpu.vector_store %arg7[%swap3A_429], %swap3A_432 {strides = array<i32>} : memref<128xf32, #tpu.memory_space<vmem>>, vector<16xf32>,
    %mul3A_433 = arith.mulf %while3A_413#3, %div3A_418 : vector<16xf32>
    %swap3A_434 = arith.constant 48 : index
    %swap3A_435 = tpu.vector_load %arg7[%swap3A_434] {strides = array<i32>} : memref<128xf32, #tpu.memory_space<vmem>>, vector<16xf32>,
    %swap3A_436 = vector.shape_cast %swap3A_435 : vector<16xf32> to vector<16xf32>
    %swap3A_437 = vector.shape_cast %mul3A_433 : vector<16xf32> to vector<16xf32>
    tpu.vector_store %arg7[%swap3A_434], %swap3A_437 {strides = array<i32>} : memref<128xf32, #tpu.memory_space<vmem>>, vector<16xf32>,
    %mul3A_438 = arith.mulf %while3A_413#4, %div3A_418 : vector<16xf32>
    %swap3A_439 = arith.constant 64 : index
    %swap3A_440 = tpu.vector_load %arg7[%swap3A_439] {strides = array<i32>} : memref<128xf32, #tpu.memory_space<vmem>>, vector<16xf32>,
    %swap3A_441 = vector.shape_cast %swap3A_440 : vector<16xf32> to vector<16xf32>
    %swap3A_442 = vector.shape_cast %mul3A_438 : vector<16xf32> to vector<16xf32>
    tpu.vector_store %arg7[%swap3A_439], %swap3A_442 {strides = array<i32>} : memref<128xf32, #tpu.memory_space<vmem>>, vector<16xf32>,
    %mul3A_443 = arith.mulf %while3A_413#5, %div3A_418 : vector<16xf32>
    %swap3A_444 = arith.constant 80 : index
    %swap3A_445 = tpu.vector_load %arg7[%swap3A_444] {strides = array<i32>} : memref<128xf32, #tpu.memory_space<vmem>>, vector<16xf32>,
    %swap3A_446 = vector.shape_cast %swap3A_445 : vector<16xf32> to vector<16xf32>
    %swap3A_447 = vector.shape_cast %mul3A_443 : vector<16xf32> to vector<16xf32>
    tpu.vector_store %arg7[%swap3A_444], %swap3A_447 {strides = array<i32>} : memref<128xf32, #tpu.memory_space<vmem>>, vector<16xf32>,
    %mul3A_448 = arith.mulf %while3A_413#6, %div3A_418 : vector<16xf32>
    %swap3A_449 = arith.constant 96 : index
    %swap3A_450 = tpu.vector_load %arg7[%swap3A_449] {strides = array<i32>} : memref<128xf32, #tpu.memory_space<vmem>>, vector<16xf32>,
    %swap3A_451 = vector.shape_cast %swap3A_450 : vector<16xf32> to vector<16xf32>
    %swap3A_452 = vector.shape_cast %mul3A_448 : vector<16xf32> to vector<16xf32>
    tpu.vector_store %arg7[%swap3A_449], %swap3A_452 {strides = array<i32>} : memref<128xf32, #tpu.memory_space<vmem>>, vector<16xf32>,
    %mul3A_453 = arith.mulf %while3A_413#7, %div3A_418 : vector<16xf32>
    %swap3A_454 = arith.constant 112 : index
    %swap3A_455 = tpu.vector_load %arg7[%swap3A_454] {strides = array<i32>} : memref<128xf32, #tpu.memory_space<vmem>>, vector<16xf32>,
    %swap3A_456 = vector.shape_cast %swap3A_455 : vector<16xf32> to vector<16xf32>
    %swap3A_457 = vector.shape_cast %mul3A_453 : vector<16xf32> to vector<16xf32>
    tpu.vector_store %arg7[%swap3A_454], %swap3A_457 {strides = array<i32>} : memref<128xf32, #tpu.memory_space<vmem>>, vector<16xf32>,
    %mul3A_458 = arith.constant 128 : i32
    %mul3A_459 = arith.muli %add3A, %mul3A_458 : i32
    "tpu.region"() ({
      %run_scoped3A = tpu.sem_alloc : memref<!tpu.dma_semaphore, #tpu.memory_space<semaphore_mem>>
      %dma_start3A = tpu.memref_slice %arg4[%mul3A_459] : memref<4096xf32, #tpu.memory_space<hbm>> -> memref<128xf32, #tpu.memory_space<hbm>>
      %dma_start3A_460 = tpu.memref_slice %arg4[%mul3A_459] : memref<4096xf32, #tpu.memory_space<hbm>> -> memref<128xf32, #tpu.memory_space<hbm>>
      tpu.enqueue_dma source(%arg7 : memref<128xf32, #tpu.memory_space<vmem>>) target(%dma_start3A_460 : memref<128xf32, #tpu.memory_space<hbm>>) target_semaphore(%run_scoped3A : memref<!tpu.dma_semaphore, #tpu.memory_space<semaphore_mem>>)
      %dma_wait3A = tpu.memref_slice %arg4[%mul3A_459] : memref<4096xf32, #tpu.memory_space<hbm>> -> memref<128xf32, #tpu.memory_space<hbm>>
      %dma_wait3A_461 = tpu.memref_slice %arg4[%mul3A_459] : memref<4096xf32, #tpu.memory_space<hbm>> -> memref<128xf32, #tpu.memory_space<hbm>>
      tpu.wait_dma2 semaphore(%run_scoped3A : memref<!tpu.dma_semaphore, #tpu.memory_space<semaphore_mem>>) src(%arg7 : memref<128xf32, #tpu.memory_space<vmem>>) dst(%dma_wait3A_461 : memref<128xf32, #tpu.memory_space<hbm>>)
      tpu.yield
    }) : () -> ()
    return
  }
}

module attributes {stable_mosaic.version = 14 : i64} {
  func.func @_onehot_body(%arg0: i32, %arg1: memref<1x1x1000xi32, #tpu.memory_space<vmem>>, %arg2: memref<1000x128xf32, #tpu.memory_space<vmem>>, %arg3: memref<64x128xf32, #tpu.memory_space<vmem>>, %arg4: memref<64x128xf32, #tpu.memory_space<vmem>>, %arg5: memref<64x128xf32, #tpu.memory_space<vmem>>) attributes {dimension_semantics = [#tpu.dimension_semantics<arbitrary>], iteration_bounds = array<i64: 10>, scalar_prefetch = 0 : i64, scratch_operands = 2 : i64, tpu.core_type = #tpu.core_type<tc>, window_params = [{transform_indices = @transform_0, window_bounds = array<i64: 1, 1, 1000>}, {transform_indices = @transform_1, window_bounds = array<i64: 1000, 128>}, {pipeline_mode = #tpu.pipeline_mode<synchronous>, transform_indices = @transform_2, window_bounds = array<i64: 64, 128>}]} {
    %eq3A = arith.constant 0 : i32
    %eq3A_0 = arith.cmpi eq, %arg0, %eq3A : i32
    %convert_element_type3A = arith.extui %eq3A_0 : i1 to i32
    %cond3A = arith.constant 0 : i32
    %cond3A_1 = arith.cmpi ne, %convert_element_type3A, %cond3A : i32
    scf.if %cond3A_1 {
      %broadcast_in_dim3A_35 = arith.constant 0.000000e+00 : f32
      %broadcast_in_dim3A_36 = vector.broadcast %broadcast_in_dim3A_35 : f32 to vector<64x128xf32>
      %swap3A_37 = arith.constant 0 : index
      %swap3A_38 = arith.constant 0 : index
      %swap3A_39 = vector.load %arg4[%swap3A_37, %swap3A_38] : memref<64x128xf32, #tpu.memory_space<vmem>>, vector<64x128xf32>
      tpu.vector_store %arg4[%swap3A_37, %swap3A_38], %broadcast_in_dim3A_36 {strides = array<i32>} : memref<64x128xf32, #tpu.memory_space<vmem>>, vector<64x128xf32>,
      %broadcast_in_dim3A_40 = arith.constant 0.000000e+00 : f32
      %broadcast_in_dim3A_41 = vector.broadcast %broadcast_in_dim3A_40 : f32 to vector<64x128xf32>
      %swap3A_42 = arith.constant 0 : index
      %swap3A_43 = arith.constant 0 : index
      %swap3A_44 = vector.load %arg5[%swap3A_42, %swap3A_43] : memref<64x128xf32, #tpu.memory_space<vmem>>, vector<64x128xf32>
      tpu.vector_store %arg5[%swap3A_42, %swap3A_43], %broadcast_in_dim3A_41 {strides = array<i32>} : memref<64x128xf32, #tpu.memory_space<vmem>>, vector<64x128xf32>,
    } else {
    }
    %get3A = arith.constant 0 : index
    %get3A_2 = arith.constant 0 : index
    %get3A_3 = arith.constant 0 : index
    %get3A_4 = vector.load %arg1[%get3A, %get3A_2, %get3A_3] : memref<1x1x1000xi32, #tpu.memory_space<vmem>>, vector<1x1x1000xi32>
    %get3A_5 = vector.shape_cast %get3A_4 : vector<1x1x1000xi32> to vector<1000xi32>
    %broadcast_in_dim3A = vector.shape_cast %get3A_5 : vector<1000xi32> to vector<1000x1xi32>
    %iota3A = tpu.iota {dimensions = array<i32: 1>} : vector<1000x64xi32>
    %eq3A_6 = vector.broadcast %broadcast_in_dim3A : vector<1000x1xi32> to vector<1000x64xi32>
    %eq3A_7 = arith.cmpi eq, %eq3A_6, %iota3A : vector<1000x64xi32>
    %convert_element_type3A_8 = arith.extui %eq3A_7 : vector<1000x64xi1> to vector<1000x64xi32>
    %convert_element_type3A_9 = arith.sitofp %convert_element_type3A_8 : vector<1000x64xi32> to vector<1000x64xf32>
    %get3A_10 = arith.constant 0 : index
    %get3A_11 = arith.constant 0 : index
    %get3A_12 = vector.load %arg2[%get3A_10, %get3A_11] : memref<1000x128xf32, #tpu.memory_space<vmem>>, vector<1000x128xf32>
    %get3A_13 = arith.constant 0 : index
    %get3A_14 = arith.constant 0 : index
    %get3A_15 = vector.load %arg4[%get3A_13, %get3A_14] : memref<64x128xf32, #tpu.memory_space<vmem>>, vector<64x128xf32>
    %dot_general3A = arith.constant dense<0.000000e+00> : vector<64x128xf32>
    %dot_general3A_16 = tpu.matmul %convert_element_type3A_9, %get3A_12, %dot_general3A {dimension_numbers = #tpu.dot_dimension_numbers<[0], [0], [1], [1], [0, 1, 1, 1], [], []>, transpose_lhs_hint = false} : vector<1000x64xf32>, vector<1000x128xf32>, vector<64x128xf32> -> vector<64x128xf32>
    %add3A = arith.addf %get3A_15, %dot_general3A_16 : vector<64x128xf32>
    %swap3A = arith.constant 0 : index
    %swap3A_17 = arith.constant 0 : index
    %swap3A_18 = vector.load %arg4[%swap3A, %swap3A_17] : memref<64x128xf32, #tpu.memory_space<vmem>>, vector<64x128xf32>
    tpu.vector_store %arg4[%swap3A, %swap3A_17], %add3A {strides = array<i32>} : memref<64x128xf32, #tpu.memory_space<vmem>>, vector<64x128xf32>,
    %get3A_19 = arith.constant 0 : index
    %get3A_20 = arith.constant 0 : index
    %get3A_21 = vector.load %arg5[%get3A_19, %get3A_20] : memref<64x128xf32, #tpu.memory_space<vmem>>, vector<64x128xf32>
    %broadcast_in_dim3A_22 = arith.constant 1.000000e+00 : f32
    %broadcast_in_dim3A_23 = vector.broadcast %broadcast_in_dim3A_22 : f32 to vector<1000x128xf32>
    %dot_general3A_24 = arith.constant dense<0.000000e+00> : vector<64x128xf32>
    %dot_general3A_25 = tpu.matmul %convert_element_type3A_9, %broadcast_in_dim3A_23, %dot_general3A_24 {dimension_numbers = #tpu.dot_dimension_numbers<[0], [0], [1], [1], [0, 1, 1, 1], [], []>, transpose_lhs_hint = false} : vector<1000x64xf32>, vector<1000x128xf32>, vector<64x128xf32> -> vector<64x128xf32>
    %add3A_26 = arith.addf %get3A_21, %dot_general3A_25 : vector<64x128xf32>
    %swap3A_27 = arith.constant 0 : index
    %swap3A_28 = arith.constant 0 : index
    %swap3A_29 = vector.load %arg5[%swap3A_27, %swap3A_28] : memref<64x128xf32, #tpu.memory_space<vmem>>, vector<64x128xf32>
    tpu.vector_store %arg5[%swap3A_27, %swap3A_28], %add3A_26 {strides = array<i32>} : memref<64x128xf32, #tpu.memory_space<vmem>>, vector<64x128xf32>,
    %eq3A_30 = arith.constant 9 : i32
    %eq3A_31 = arith.cmpi eq, %arg0, %eq3A_30 : i32
    %convert_element_type3A_32 = arith.extui %eq3A_31 : i1 to i32
    %cond3A_33 = arith.constant 0 : i32
    %cond3A_34 = arith.cmpi ne, %convert_element_type3A_32, %cond3A_33 : i32
    scf.if %cond3A_34 {
      %get3A_35 = arith.constant 0 : index
      %get3A_36 = arith.constant 0 : index
      %get3A_37 = vector.load %arg4[%get3A_35, %get3A_36] : memref<64x128xf32, #tpu.memory_space<vmem>>, vector<64x128xf32>
      %get3A_38 = arith.constant 0 : index
      %get3A_39 = arith.constant 0 : index
      %get3A_40 = vector.load %arg5[%get3A_38, %get3A_39] : memref<64x128xf32, #tpu.memory_space<vmem>>, vector<64x128xf32>
      %max3A = arith.constant 1.000000e+00 : f32
      %max3A_41 = vector.broadcast %max3A : f32 to vector<64x128xf32>
      %max3A_42 = arith.maximumf %get3A_40, %max3A_41 : vector<64x128xf32>
      %div3A = arith.divf %get3A_37, %max3A_42 : vector<64x128xf32>
      %swap3A_43 = arith.constant 0 : index
      %swap3A_44 = arith.constant 0 : index
      %swap3A_45 = vector.load %arg3[%swap3A_43, %swap3A_44] : memref<64x128xf32, #tpu.memory_space<vmem>>, vector<64x128xf32>
      tpu.vector_store %arg3[%swap3A_43, %swap3A_44], %div3A {strides = array<i32>} : memref<64x128xf32, #tpu.memory_space<vmem>>, vector<64x128xf32>,
    } else {
    }
    return
  }
  func.func @transform_0(%arg0: i32) -> (i32, i32, i32) {
    %c0_i32 = arith.constant 0 : i32
    %c0_i32_0 = arith.constant 0 : i32
    %c0_i32_1 = arith.constant 0 : i32
    return %arg0, %c0_i32, %c0_i32_0 : i32, i32, i32
  }
  func.func @transform_1(%arg0: i32) -> (i32, i32) {
    %c0_i32 = arith.constant 0 : i32
    %c0_i32_0 = arith.constant 0 : i32
    return %arg0, %c0_i32 : i32, i32
  }
  func.func @transform_2(%arg0: i32) -> (i32, i32) {
    %c0_i32 = arith.constant 0 : i32
    %c0_i32_0 = arith.constant 0 : i32
    %c0_i32_1 = arith.constant 0 : i32
    return %c0_i32, %c0_i32_0 : i32, i32
  }
}

module attributes {stable_mosaic.version = 14 : i64} {
  func.func @_mlp_body(%arg0: memref<32x128xf32, #tpu.memory_space<vmem>>, %arg1: memref<64x128xf32, #tpu.memory_space<vmem>>, %arg2: memref<128x128xf32, #tpu.memory_space<vmem>>, %arg3: memref<1x128xf32, #tpu.memory_space<vmem>>, %arg4: memref<1x128xf32, #tpu.memory_space<vmem>>, %arg5: memref<1x128xf32, #tpu.memory_space<vmem>>, %arg6: memref<128x128xf32, #tpu.memory_space<vmem>>, %arg7: memref<1x128xf32, #tpu.memory_space<vmem>>, %arg8: memref<64x128xf32, #tpu.memory_space<vmem>>) attributes {dimension_semantics = [], scalar_prefetch = 0 : i64, scratch_operands = 0 : i64, tpu.core_type = #tpu.core_type<tc>} {
    %get3A = arith.constant 0 : index
    %get3A_0 = arith.constant 0 : index
    %get3A_1 = vector.load %arg0[%get3A, %get3A_0] : memref<32x128xf32, #tpu.memory_space<vmem>>, vector<32x128xf32>
    %get3A_2 = arith.constant 32 : index
    %get3A_3 = arith.constant 0 : index
    %get3A_4 = vector.load %arg1[%get3A_2, %get3A_3] : memref<64x128xf32, #tpu.memory_space<vmem>>, vector<32x128xf32>
    %concatenate3A = tpu.concatenate %get3A_1, %get3A_4 in 0 : vector<32x128xf32>, vector<32x128xf32> -> vector<64x128xf32>
    %get3A_5 = arith.constant 0 : index
    %get3A_6 = arith.constant 0 : index
    %get3A_7 = vector.load %arg2[%get3A_5, %get3A_6] : memref<128x128xf32, #tpu.memory_space<vmem>>, vector<128x128xf32>
    %dot_general3A = arith.constant dense<0.000000e+00> : vector<64x128xf32>
    %dot_general3A_8 = tpu.matmul %concatenate3A, %get3A_7, %dot_general3A {dimension_numbers = #tpu.dot_dimension_numbers<[1], [0], [0], [1], [0, 0, 1, 1], [], []>, transpose_lhs_hint = false} : vector<64x128xf32>, vector<128x128xf32>, vector<64x128xf32> -> vector<64x128xf32>
    %get3A_9 = arith.constant 0 : index
    %get3A_10 = arith.constant 0 : index
    %get3A_11 = vector.load %arg3[%get3A_9, %get3A_10] : memref<1x128xf32, #tpu.memory_space<vmem>>, vector<1x128xf32>
    %add3A = vector.broadcast %get3A_11 : vector<1x128xf32> to vector<64x128xf32>
    %add3A_12 = arith.addf %dot_general3A_8, %add3A : vector<64x128xf32>
    %reduce_sum3A = arith.constant dense<0.000000e+00> : vector<128xf32>
    %reduce_sum3A_13 = vector.multi_reduction <add>, %add3A_12, %reduce_sum3A [0] : vector<64x128xf32> to vector<128xf32>
    %broadcast_in_dim3A = vector.shape_cast %reduce_sum3A_13 : vector<128xf32> to vector<1x128xf32>
    %div3A = arith.constant 6.400000e+01 : f32
    %div3A_14 = vector.broadcast %div3A : f32 to vector<1x128xf32>
    %div3A_15 = arith.divf %broadcast_in_dim3A, %div3A_14 : vector<1x128xf32>
    %sub3A = vector.broadcast %div3A_15 : vector<1x128xf32> to vector<64x128xf32>
    %sub3A_16 = arith.subf %add3A_12, %sub3A : vector<64x128xf32>
    %integer_pow3A = arith.mulf %sub3A_16, %sub3A_16 : vector<64x128xf32>
    %reduce_sum3A_17 = arith.constant dense<0.000000e+00> : vector<128xf32>
    %reduce_sum3A_18 = vector.multi_reduction <add>, %integer_pow3A, %reduce_sum3A_17 [0] : vector<64x128xf32> to vector<128xf32>
    %broadcast_in_dim3A_19 = vector.shape_cast %reduce_sum3A_18 : vector<128xf32> to vector<1x128xf32>
    %div3A_20 = arith.constant 6.400000e+01 : f32
    %div3A_21 = vector.broadcast %div3A_20 : f32 to vector<1x128xf32>
    %div3A_22 = arith.divf %broadcast_in_dim3A_19, %div3A_21 : vector<1x128xf32>
    %sub3A_23 = vector.broadcast %div3A_15 : vector<1x128xf32> to vector<64x128xf32>
    %sub3A_24 = arith.subf %add3A_12, %sub3A_23 : vector<64x128xf32>
    %add3A_25 = arith.constant 9.99999974E-6 : f32
    %add3A_26 = vector.broadcast %add3A_25 : f32 to vector<1x128xf32>
    %add3A_27 = arith.addf %div3A_22, %add3A_26 : vector<1x128xf32>
    %rsqrt3A = math.rsqrt %add3A_27 : vector<1x128xf32>
    %mul3A = vector.broadcast %rsqrt3A : vector<1x128xf32> to vector<64x128xf32>
    %mul3A_28 = arith.mulf %sub3A_24, %mul3A : vector<64x128xf32>
    %get3A_29 = arith.constant 0 : index
    %get3A_30 = arith.constant 0 : index
    %get3A_31 = vector.load %arg4[%get3A_29, %get3A_30] : memref<1x128xf32, #tpu.memory_space<vmem>>, vector<1x128xf32>
    %mul3A_32 = vector.broadcast %get3A_31 : vector<1x128xf32> to vector<64x128xf32>
    %mul3A_33 = arith.mulf %mul3A_28, %mul3A_32 : vector<64x128xf32>
    %get3A_34 = arith.constant 0 : index
    %get3A_35 = arith.constant 0 : index
    %get3A_36 = vector.load %arg5[%get3A_34, %get3A_35] : memref<1x128xf32, #tpu.memory_space<vmem>>, vector<1x128xf32>
    %add3A_37 = vector.broadcast %get3A_36 : vector<1x128xf32> to vector<64x128xf32>
    %add3A_38 = arith.addf %mul3A_33, %add3A_37 : vector<64x128xf32>
    %max3A = arith.constant 0.000000e+00 : f32
    %max3A_39 = vector.broadcast %max3A : f32 to vector<64x128xf32>
    %max3A_40 = arith.maximumf %add3A_38, %max3A_39 : vector<64x128xf32>
    %get3A_41 = arith.constant 0 : index
    %get3A_42 = arith.constant 0 : index
    %get3A_43 = vector.load %arg6[%get3A_41, %get3A_42] : memref<128x128xf32, #tpu.memory_space<vmem>>, vector<128x128xf32>
    %dot_general3A_44 = arith.constant dense<0.000000e+00> : vector<64x128xf32>
    %dot_general3A_45 = tpu.matmul %max3A_40, %get3A_43, %dot_general3A_44 {dimension_numbers = #tpu.dot_dimension_numbers<[1], [0], [0], [1], [0, 0, 1, 1], [], []>, transpose_lhs_hint = false} : vector<64x128xf32>, vector<128x128xf32>, vector<64x128xf32> -> vector<64x128xf32>
    %get3A_46 = arith.constant 0 : index
    %get3A_47 = arith.constant 0 : index
    %get3A_48 = vector.load %arg7[%get3A_46, %get3A_47] : memref<1x128xf32, #tpu.memory_space<vmem>>, vector<1x128xf32>
    %add3A_49 = vector.broadcast %get3A_48 : vector<1x128xf32> to vector<64x128xf32>
    %add3A_50 = arith.addf %dot_general3A_45, %add3A_49 : vector<64x128xf32>
    %swap3A = arith.constant 0 : index
    %swap3A_51 = arith.constant 0 : index
    %swap3A_52 = vector.load %arg8[%swap3A, %swap3A_51] : memref<64x128xf32, #tpu.memory_space<vmem>>, vector<64x128xf32>
    tpu.vector_store %arg8[%swap3A, %swap3A_51], %add3A_50 {strides = array<i32>} : memref<64x128xf32, #tpu.memory_space<vmem>>, vector<64x128xf32>,
    return
  }
}

</mosaic_0001>

<sc_bundles>
// kernel: kernel.5.cloned.1.call-start
scs
__scs_entry_jumppad:
0x0: {  	(pc) =	sbr.rel $0x88, $3  }
0x1: {  	(tag) =	ssettag $0x0;
	lr =	simm.s32 $0x1  }
0x2: {  	[smem:$0x3F99] =	sst lr;
	_ =	strace $0xD0000000  }
0x3: {  	_ = 	snop  }
0x4: {  	_ = 	snop  }
0x5: {  	_ = 	snop  }
0x6: {  	_ = 	snop  }
0x7: {  	_ = 	snop  }
__scs_overlays_trampoline_lowered:
0x8: {  	[smem:$0x3FA8] =	sst s0  }
0x9: {  	[smem:$0x3FA9] =	sst s1  }
0xa: {  	[smem:$0x3FAA] =	sst s2  }
0xb: {  	[smem:$0x3FAB] =	sst s3  }
0xc: {  	[smem:$0x3FAC] =	sst s4  }
0xd: {  	[smem:$0x3FAD] =	sst s5  }
0xe: {  	[smem:$0x3FAE] =	sst s6  }
0xf: {  	[smem:$0x3FAF] =	sst s7  }
0x10: {  	[smem:$0x3FB0] =	sst s8  }
0x11: {  	[smem:$0x3FB1] =	sst s9;
	s0 =	simm.s32 @!p0 $0x0  }
0x12: {  	s1 =	sld [smem:$0x3F97];
	s0 =	simm.s32 @p0 $0x1  }
0x13: {  	[smem:$0x3FB2] =	sst s0;
	s0 =	simm.s32 @!p1 $0x0  }
0x14: {  	s2 =	sld [smem:$0x3F96];
	s0 =	simm.s32 @p1 $0x1  }
0x15: {  	[smem:$0x3FB3] =	sst s0;
	s0 =	simm.s32 @!p2 $0x0  }
0x16: {  	s3 =	sld [smem:$0x3FDB];
	s0 =	simm.s32 @p2 $0x1  }
0x17: {  	s4 =	simm.s32 $0x1BF5;
	[smem:$0x3FB5] =	sst s0  }
0x18: {  	s0 =	sld [smem:$0x3F98];
	_ =	swait.ge [sflag:s4], $0x0  }
0x19: {  	s7 =	sld [smem:$0x3F99]  }
0x1a: {  	s8 =	sadd.s32 $0xFFFFE003, lr  }
0x1b: {  	s9 =	sadd.s32 $0xFFFFFEF7, lr;
	s5 =	simm.s32 $0xFFFFFFFF;
	p2 =	slt.u32 s8, $0xFFFFF086  }
0x1c: {  	p1 =	slt.u32 s9, $0xF7A;
	s5 =	simm.s32 @!p2 $0x0  }
0x1d: {  	s5 =	simm.s32 @p1 $0x1;
	p0 =	seq.s32 s7, s2  }
0x1e: {  	s7 =	smul.u32 @!p0 $0xF7A, s2;
	p2 =	seq.s32 @!p0 s5, $0x0  }
0x1f: {  	s9 =	smul.u32 $0xF7A, s1;
	s8 =	simm.s32 @!p0 $0x1BF5;
	p2 =	por !p2, p0  }
0x20: {  	[sflag:s8] =	ssyncset.s32 @!p0 $0xFFFFF086;
	s6 =	sadd.s32 @!p0 s3, s7;
	s7 =	simm.s32 @!p0 $0x108  }
0x21: {  	s3 =	sadd.s32 s3, s9;
	s6 =	sadd.s32 @!p0 $0x88, s6;
	s7 =	simm.s32 @p2 $0x1082  }
0x22: {  	[simem:s7], [sflag:s8] =	dma.local @!p0 [hbm:s6], $0xF7A  }
0x23: {  	s9 =	sor.u32 $0xD0000000, s2;
	s6 =	simm.s32 $0x108;
	_ =	swait.ge @!p0 [sflag:s8], $0x0  }
0x24: {  	s3 =	sadd.s32 $0x88, s3;
	s6 =	simm.s32 @!p1 $0x1082;
	[sflag:s4] =	ssyncset.s32 $0xFFFFF086  }
0x25: {  	[simem:s6], [sflag:s4] =	dma.local [hbm:s3], $0xF7A  }
0x26: {  	[smem:$0x3F99] =	sst s1;
	(tag) =	ssettag s2;
	_ =	strace s9  }
0x27: {  	s1 =	sld [smem:$0x3FA9]  }
0x28: {  	s2 =	sld [smem:$0x3FAA]  }
0x29: {  	s4 =	sld [smem:$0x3FAC]  }
0x2a: {  	p0 =	seq.s32 s5, $0x0;
	s5 =	sld [smem:$0x3FAD]  }
0x2b: {  	s6 =	sld [smem:$0x3FAE]  }
0x2c: {  	s7 =	sld [smem:$0x3FAF]  }
0x2d: {  	s3 =	simm.s32 $0x108;
	s8 =	sld [smem:$0x3FB0]  }
0x2e: {  	s3 =	simm.s32 @!p0 $0x1082;
	s9 =	sld [smem:$0x3FB1]  }
0x2f: {  	lr =	sadd.s32 s0, s3;
	s0 =	sld [smem:$0x3FA8]  }
0x30: {  	s3 =	sld [smem:$0x3FAB]  }
0x31: {  	[smem:$0x3FB4] =	sst s10  }
0x32: {  	s10 =	sld [smem:$0x3FB2];
	_ =	sdelay $0x3  }
0x33: {  	p0 =	seq.s32 s10, $0x1;
	s10 =	sld [smem:$0x3FB4];
	_ =	sdelay $0x3  }
0x34: {  	[smem:$0x3FB4] =	sst s10  }
0x35: {  	s10 =	sld [smem:$0x3FB3];
	_ =	sdelay $0x3  }
0x36: {  	p1 =	seq.s32 s10, $0x1;
	s10 =	sld [smem:$0x3FB4];
	_ =	sdelay $0x3  }
0x37: {  	[smem:$0x3FB4] =	sst s10  }
0x38: {  	s10 =	sld [smem:$0x3FB5]  }
0x39: {  	_ = 	snop;
	(pc) =	sbr.ind lr, $3  }
0x3a: {  	_ = 	snop  }
0x3b: {  	_ = 	snop  }
0x3c: {  	p2 =	seq.s32 s10, $0x1;
	s10 =	sld [smem:$0x3FB4]  }
0x3d: {  	_ =	shalt  }
0x3e: {  	_ =	shalt  }
0x3f: {  	_ =	shalt  }
0x40: {  	_ =	shalt  }
0x41: {  	_ =	shalt  }
0x42: {  	_ =	shalt  }
0x43: {  	_ =	shalt  }
0x44: {  	_ =	shalt  }
0x45: {  	_ =	shalt  }
0x46: {  	_ =	shalt  }
0x47: {  	_ =	shalt  }
0x48: {  	_ =	shalt  }
0x49: {  	_ =	shalt  }
0x4a: {  	_ =	shalt  }
0x4b: {  	_ =	shalt  }
0x4c: {  	_ =	shalt  }
0x4d: {  	_ =	shalt  }
0x4e: {  	_ =	shalt  }
0x4f: {  	_ =	shalt  }
0x50: {  	_ =	shalt  }
0x51: {  	_ =	shalt  }
0x52: {  	_ =	shalt  }
0x53: {  	_ =	shalt  }
0x54: {  	_ =	shalt  }
0x55: {  	_ =	shalt  }
0x56: {  	_ =	shalt  }
0x57: {  	_ =	shalt  }
0x58: {  	_ =	shalt  }
0x59: {  	_ =	shalt  }
0x5a: {  	_ =	shalt  }
0x5b: {  	_ =	shalt  }
0x5c: {  	_ =	shalt  }
0x5d: {  	_ =	shalt  }
0x5e: {  	_ =	shalt  }
0x5f: {  	_ =	shalt  }
0x60: {  	_ =	shalt  }
0x61: {  	_ =	shalt  }
0x62: {  	_ =	shalt  }
0x63: {  	_ =	shalt  }
0x64: {  	_ =	shalt  }
0x65: {  	_ =	shalt  }
0x66: {  	_ =	shalt  }
0x67: {  	_ =	shalt  }
0x68: {  	_ =	shalt  }
0x69: {  	_ =	shalt  }
0x6a: {  	_ =	shalt  }
0x6b: {  	_ =	shalt  }
0x6c: {  	_ =	shalt  }
0x6d: {  	_ =	shalt  }
0x6e: {  	_ =	shalt  }
0x6f: {  	_ =	shalt  }
0x70: {  	_ =	shalt  }
0x71: {  	_ =	shalt  }
0x72: {  	_ =	shalt  }
0x73: {  	_ =	shalt  }
0x74: {  	_ =	shalt  }
0x75: {  	_ =	shalt  }
0x76: {  	_ =	shalt  }
0x77: {  	_ =	shalt  }
0x78: {  	_ =	shalt  }
0x79: {  	_ =	shalt  }
0x7a: {  	_ =	shalt  }
0x7b: {  	_ =	shalt  }
0x7c: {  	_ =	shalt  }
0x7d: {  	_ =	shalt  }
0x7e: {  	_ =	shalt  }
0x7f: {  	_ =	shalt  }
0x80: {  	_ =	shalt  }
0x81: {  	_ =	shalt  }
0x82: {  	_ =	shalt  }
0x83: {  	_ =	shalt  }
0x84: {  	_ =	shalt  }
0x85: {  	_ =	shalt  }
0x86: {  	_ =	shalt  }
0x87: {  	_ =	shalt  }
.Lfunc_end0:
.L_simem_size_0:
called_computation_lowered:
.L_overlay_start_0:
0x88: {  	s2 =	sld [smem:$0x3FD9]  }
0x89: {  	s3 =	sld [smem:$0x3FFE];
	_ =	sdelay $0x1  }
0x8a: {  	s1 =	srdreg.scid  }
0x8b: {  	s0 =	sand.u32 $0x1, s1  }
0x8c: {  	s17 =	sshll.u32 s0, $0xA;
	s2 =	sadd.s32 s3, s2  }
0x8d: {  	s2 =	sadd.s32 s2, s17  }
0x8e: {  	[smem:$0x3FC0] =	sst s2  }
0x8f: {  	_ = 	snop  }
0x90: {  	s2 =	sld [smem:$0x3FC9]  }
0x91: {  	s18 =	sld [smem:$0x3FD0];
	(tm) =	ssettm $0x1  }
0x92: {  	s4 =	sld [smem:$0x3FFB];
	_ =	sdelay $0x3  }
0x93: {  	_ =	strace s4  }
0x94: {  	s4 =	sld [smem:$0x3FFC];
	_ =	sdelay $0x3  }
0x95: {  	_ =	strace s4  }
0x96: {  	s4 =	sld [smem:$0x3FFD];
	_ =	sdelay $0x3  }
0x97: {  	_ =	strace s4  }
0x98: {  	_ =	strace $0x8FFFFFFF  }
0x99: {  	s19 =	sld [smem:$0x3FDB];
	_ =	sdelay $0x1  }
0x9a: {  	s5 =	simm.s32 $_scs_section_size  }
0x9b: {  	s6 =	simm.s32 $_size__tile_overlayer_lowered;
	s7 =	simm.s32 $_tile_overlayer_lowered  }
0x9c: {  	s22 =	simm.s32 $0x1BFF;
	s21 =	sshll.u32 s7, $0x1;
	s4 =	sadd.s32 s5, s19  }
0x9d: {  	s8 =	simm.s32 $0x0;
	s20 =	sshll.u32 s6, $0x1;
	s6 =	sadd.s32 s21, s4  }
0x9e: {  	[timem:s8], [sflag:s22] =	dma.local [hbm:s6], s20  }
0x9f: {  	_ =	swait.ge [sflag:s22], s20  }
0xa0: {  	s5 =	ssub.s32 $0x0, s20;
	[sflag:s22] =	ssyncset.done $0x0  }
0xa1: {  	[sflag:s22] =	ssyncadd.s32 s5;
	_ =	sdelay $0x1  }
0xa2: {  	s23 =	simm.s32 $0x1B8B  }
0xa3: {  	_ =	swait.ge [sflag:s23], $0x1  }
0xa4: {  	[sflag:s23] =	ssyncset.done $0x0  }
0xa5: {  	s25 =	simm.s32 $0x1B8E;
	s24 =	sld [smem:$0x3FFE];
	[sflag:s23] =	ssyncadd.s32 $0xFFFFFFFF  }
0xa6: {  	s26 =	simm.s32 $execute0_lowered;
	[smem:$0x3FD2] =	sst s25  }
0xa7: {  	s6 =	sshll.u32 s26, $0x1;
	_ =	strace $0x80000046;
	[dreg:$0x1] =	wrdreg $0xFFFFFFFF  }
0xa8: {  	s28 =	simm.s32 $_size_execute0_lowered;
	s4 =	sadd.s32 s4, s6;
	[dreg:$0x0] =	wrdreg $0x0  }
0xa9: {  	s6 =	sshll.u32 s28, $0x1;
	[dreg:$0x2] =	wrdreg s4  }
0xaa: {  	[dreg:$0x3] =	wrdreg s6  }
0xab: {  	[dreg:$0x4] =	wrdreg $0xC0  }
0xac: {  	_ =	task [dreg:s8], $0x5FFFF  }
0xad: {  	[dreg:$0x1] =	wrdreg $0xFFFFFFFF  }
0xae: {  	[dreg:$0x0] =	wrdreg $0x60  }
0xaf: {  	[dreg:$0x2] =	wrdreg s2  }
0xb0: {  	[dreg:$0x3] =	wrdreg s24  }
0xb1: {  	[dreg:$0x4] =	wrdreg s18  }
0xb2: {  	[dreg:$0x5] =	wrdreg $0x9  }
0xb3: {  	_ =	task.clear_ibuf [dreg:s8], $0x6FFFF;
	_ =	strace $0x90000046  }
0xb4: {  	s29 =	simm.s32 $0x9;
	_ =	strace $0x80000048  }
0xb5: {  	_ =	swait.ge [sflag:s29], $0x1  }
0xb6: {  	[sflag:s29] =	ssyncadd.s32 $0xFFFFFFFF  }
0xb7: {  	_ =	strace $0x90000048  }
0xb8: {  	_ =	sfence  }
0xb9: {  	s30 =	sld [smem:$0x0];
	_ =	sdelay $0x2  }
0xba: {  	s31 =	sshll.u32 s1, $0xD;
	s1 =	sshrl.u32 s1, $0x2  }
0xbb: {  	s3 =	sand.u32 $0x4000, s31;
	s1 =	sadd.s32 s1, s30  }
0xbc: {  	s0 =	sor.u32 s3, s0;
	s1 =	sshll.u32 s1, $0x11  }
0xbd: {  	s0 =	sor.u32 s1, s0  }
0xbe: {  	s0 =	sadd.s32 $0x8F2B, s0  }
0xbf: {  	[sflag:s0] =	ssyncadd.remote.s32 $0x1  }
0xc0: {  	_ =	sfence.sel $0xFFFF  }
0xc1: {  	[dreg:$0x0] =	wrdreg $0xFFFFFFFF;
	(pc) =	sbr.abs _section_cstart, $3  }
0xc2: {  	[dreg:$0x1] =	wrdreg $0xFFFFFFFF  }
0xc3: {  	_ =	task.clear_ibuf [dreg:s8], $0x2FFFF;
	_ =	strace $0x9FFFFFFF  }
0xc4: {  	(tm) =	ssettm $0x7FFFFFFF  }
0xc5: {  	_ =	shalt  }
tec
execute0_lowered:
.L_overlay_start_1:
0x0: {  	(tag) =	ssettag $0x1  }
0x1: {  	s1 =	rddreg [dreg:$0x0]  }
0x2: {  	s5 =	rddreg [dreg:$0x1]  }
0x3: {  	s6 =	rddreg [dreg:$0x2]  }
0x4: {  	s0 =	rddreg [dreg:$0x3];
	s4 =	srdreg.scid;
	s3 =	simm.s32 $0x0  }
0x5: {  	s2 =	stileid.u32;
	s10 =	simm.s32 $0xA780;
	s11 =	simm.s32 $0x0  }
.Ltmp0:
0x6: {  	s4 =	sand.u32 $0x1, s4;
	s8 =	sshll.u32 s2, $0x1;
	(pc) =	sbr.rel .LBB2_1-.Ltmp0, $4  }
0x7: {  	[smem:$0x7FF] =	sst s3;
	s7 =	ssub.s32 $0x2, s4;
	s4 =	sor.u32 s4, s8  }
0x8: {  	s5 =	sadd.s32 $0x1600, s5;
	s9 =	sshrl.u32 s7, $0x1;
	s8 =	sshll.u32 s4, $0x4  }
0x9: {  	_ =	strace $0x80000047;
	s7 =	ssub.s32 s7, s9;
	s6 =	sadd.s32 s6, s8  }
0xa: {  	s8 =	simm.s32 $0x1;
	s9 =	simm.s32 $0x2780;
	s7 =	smax.u32 s7, $0x1  }
.LBB2_7:
0xb: {  	p0 =	sgt.s32 s13, $0x1  }
0xc: {  	s13 =	simm.s32 @!p0 $0x1  }
0xd: {  	s12 =	scvt.s32.f32 s13;
	_ =	sdelay $0x1  }
0xe: {  	v8 =	vmov s12  }
0xf: {  	(erf) = vrcp.f32 v8;
	_ =	sdelay $0x8  }
0x10: {  	v8 =	vpop (erf)  }
0x11: {  	v7 =	vmul.f32 v7, v8  }
0x12: {  	v6 =	vmul.f32 v6, v8  }
0x13: {  	v5 =	vmul.f32 v5, v8;
	[tilespmem:$0xA780] =	vst v7  }
0x14: {  	v4 =	vmul.f32 v4, v8;
	[tilespmem:$0xA790] =	vst v6  }
0x15: {  	v3 =	vmul.f32 v3, v8;
	[tilespmem:$0xA7A0] =	vst v5  }
0x16: {  	v2 =	vmul.f32 v2, v8;
	[tilespmem:$0xA7B0] =	vst v4  }
0x17: {  	v1 =	vmul.f32 v1, v8;
	[tilespmem:$0xA7C0] =	vst v3  }
0x18: {  	s11 =	sadd.s32 $0x1, s11;
	v0 =	vmul.f32 v0, v8;
	[tilespmem:$0xA7D0] =	vst v2  }
0x19: {  	p0 =	sne.s32 s11, s7;
	[tilespmem:$0xA7E0] =	vst v1  }
.Ltmp1:
0x1a: {  	[tilespmem:$0xA7F0] =	vst v0;
	(pc) =	sbr.rel @!p0 .LBB2_8-.Ltmp1, $4  }
0x1b: {  	[hbm4b:s6+s3] =	stream.linear.scatter [tilespmem:s10], [sflag:$0x1], $0x80, $0x38;
	[tilespmem:$0xA800] =	vst v63  }
0x1c: {  	_ =	swait.ge [sflag:s8], $0x80  }
0x1d: {  	[sflag:s8] =	ssyncset.done $0x0  }
0x1e: {  	[sflag:s8] =	ssyncadd.s32 $0xFFFFFF80  }
.LBB2_1:
0x1f: {  	[tilespmem:s3], [sflag:$0x1] =	stream.linear.gather [hbm4b:s5+s3], $0x2780, $0x38;
	[tilespmem:$0xA800] =	vst v63  }
0x20: {  	_ =	swait.ge [sflag:s8], $0x2780  }
0x21: {  	[sflag:s8] =	ssyncset.done $0x0  }
0x22: {  	[sflag:s8] =	ssyncadd.s32 $0xFFFFD880  }
0x23: {  	v0 =	vld [tilespmem:$0x1388];
	_ =	sdelay $0x4  }
0x24: {  	(v2sf) =	vpush v0, $0x0;
	_ =	sdelay $0xe  }
0x25: {  	s14 =	spop (v2sf)  }
0x26: {  	s13 =	simm.s32 $0x1D4C;
	p0 =	slt.s32 s14, s4  }
0x27: {  	s13 =	simm.s32 @!p0 $0x9C4  }
0x28: {  	v0 =	vld [tilespmem:s13+$0x0];
	_ =	sdelay $0x4  }
0x29: {  	(v2sf) =	vpush v0, $0x0;
	_ =	sdelay $0xd  }
0x2a: {  	s12 =	simm.s32 $0x1389  }
0x2b: {  	s15 =	simm.s32 $0x2710;
	s12 =	simm.s32 @!p0 $0x0;
	s16 =	spop (v2sf)  }
0x2c: {  	s15 =	simm.s32 @!p0 $0x1388;
	p0 =	slt.s32 s16, s4;
	s16 =	sor.u32 $0x1, s13  }
0x2d: {  	s12 =	smov.u32 @p0 s16;
	s13 =	smov.u32 @p0 s15  }
0x2e: {  	s15 =	sadd.s32 s12, s13  }
0x2f: {  	s15 =	sshrl.u32 s15, $0x1  }
0x30: {  	v0 =	vld [tilespmem:s15+$0x0];
	_ =	sdelay $0x4  }
0x31: {  	(v2sf) =	vpush v0, $0x0;
	_ =	sdelay $0xe  }
0x32: {  	s31 =	spop (v2sf)  }
0x33: {  	s16 =	sor.u32 $0x1, s15;
	p0 =	slt.s32 s31, s4  }
0x34: {  	s12 =	smov.u32 @p0 s16;
	s15 =	smov.u32 @p0 s13  }
0x35: {  	s13 =	sadd.s32 s15, s12  }
0x36: {  	s13 =	sshrl.u32 s13, $0x1  }
0x37: {  	v0 =	vld [tilespmem:s13+$0x0];
	_ =	sdelay $0x4  }
0x38: {  	(v2sf) =	vpush v0, $0x0;
	_ =	sdelay $0xe  }
0x39: {  	s17 =	spop (v2sf)  }
0x3a: {  	s16 =	sadd.s32 $0x1, s13;
	p0 =	slt.s32 s17, s4  }
0x3b: {  	s12 =	smov.u32 @p0 s16;
	s13 =	smov.u32 @p0 s15  }
0x3c: {  	s15 =	sxor.u32 s13, s12  }
0x3d: {  	s16 =	sand.u32 s13, s12;
	s15 =	sshrl.u32 s15, $0x1  }
0x3e: {  	s15 =	sadd.s32 s15, s16  }
0x3f: {  	v0 =	vld [tilespmem:s15+$0x0];
	_ =	sdelay $0x4  }
0x40: {  	(v2sf) =	vpush v0, $0x0;
	_ =	sdelay $0xe  }
0x41: {  	s18 =	spop (v2sf)  }
0x42: {  	s16 =	sadd.s32 $0x1, s15;
	p0 =	slt.s32 s18, s4  }
0x43: {  	s12 =	smov.u32 @p0 s16;
	s15 =	smov.u32 @p0 s13  }
0x44: {  	s13 =	sadd.s32 s15, s12  }
0x45: {  	s13 =	sshrl.u32 s13, $0x1  }
0x46: {  	v0 =	vld [tilespmem:s13+$0x0];
	_ =	sdelay $0x4  }
0x47: {  	(v2sf) =	vpush v0, $0x0;
	_ =	sdelay $0xe  }
0x48: {  	s19 =	spop (v2sf)  }
0x49: {  	s16 =	sadd.s32 $0x1, s13;
	p0 =	slt.s32 s19, s4  }
0x4a: {  	s12 =	smov.u32 @p0 s16;
	s13 =	smov.u32 @p0 s15  }
0x4b: {  	s15 =	sadd.s32 s13, s12  }
0x4c: {  	s15 =	sshrl.u32 s15, $0x1  }
0x4d: {  	v0 =	vld [tilespmem:s15+$0x0];
	_ =	sdelay $0x4  }
0x4e: {  	(v2sf) =	vpush v0, $0x0;
	_ =	sdelay $0xe  }
0x4f: {  	s20 =	spop (v2sf)  }
0x50: {  	s16 =	sadd.s32 $0x1, s15;
	p0 =	slt.s32 s20, s4  }
0x51: {  	s12 =	smov.u32 @p0 s16;
	s15 =	smov.u32 @p0 s13  }
0x52: {  	s13 =	sadd.s32 s15, s12  }
0x53: {  	s13 =	sshrl.u32 s13, $0x1  }
0x54: {  	v0 =	vld [tilespmem:s13+$0x0];
	_ =	sdelay $0x4  }
0x55: {  	(v2sf) =	vpush v0, $0x0;
	_ =	sdelay $0xe  }
0x56: {  	s21 =	spop (v2sf)  }
0x57: {  	s16 =	sadd.s32 $0x1, s13;
	p0 =	slt.s32 s21, s4  }
0x58: {  	s12 =	smov.u32 @p0 s16;
	s13 =	smov.u32 @p0 s15  }
0x59: {  	s15 =	sadd.s32 s13, s12  }
0x5a: {  	s15 =	sshrl.u32 s15, $0x1  }
0x5b: {  	v0 =	vld [tilespmem:s15+$0x0];
	_ =	sdelay $0x4  }
0x5c: {  	(v2sf) =	vpush v0, $0x0;
	_ =	sdelay $0xe  }
0x5d: {  	s22 =	spop (v2sf)  }
0x5e: {  	s16 =	sadd.s32 $0x1, s15;
	p0 =	slt.s32 s22, s4  }
0x5f: {  	s12 =	smov.u32 @p0 s16;
	s15 =	smov.u32 @p0 s13  }
0x60: {  	s13 =	sadd.s32 s15, s12  }
0x61: {  	s13 =	sshrl.u32 s13, $0x1  }
0x62: {  	v0 =	vld [tilespmem:s13+$0x0];
	_ =	sdelay $0x4  }
0x63: {  	(v2sf) =	vpush v0, $0x0;
	_ =	sdelay $0xe  }
0x64: {  	s23 =	spop (v2sf)  }
0x65: {  	s16 =	sadd.s32 $0x1, s13;
	p0 =	slt.s32 s23, s4  }
0x66: {  	s12 =	smov.u32 @p0 s16;
	s13 =	smov.u32 @p0 s15  }
0x67: {  	s15 =	sadd.s32 s13, s12  }
0x68: {  	s15 =	sshrl.u32 s15, $0x1  }
0x69: {  	v0 =	vld [tilespmem:s15+$0x0];
	_ =	sdelay $0x4  }
0x6a: {  	(v2sf) =	vpush v0, $0x0;
	_ =	sdelay $0xe  }
0x6b: {  	s24 =	spop (v2sf)  }
0x6c: {  	s16 =	sadd.s32 $0x1, s15;
	p0 =	slt.s32 s24, s4  }
0x6d: {  	s12 =	smov.u32 @p0 s16;
	s15 =	smov.u32 @p0 s13  }
0x6e: {  	s13 =	sadd.s32 s15, s12  }
0x6f: {  	s13 =	sshrl.u32 s13, $0x1  }
0x70: {  	v0 =	vld [tilespmem:s13+$0x0];
	_ =	sdelay $0x4  }
0x71: {  	(v2sf) =	vpush v0, $0x0;
	_ =	sdelay $0xe  }
0x72: {  	s25 =	spop (v2sf)  }
0x73: {  	s16 =	sadd.s32 $0x1, s13;
	p0 =	slt.s32 s25, s4  }
0x74: {  	s12 =	smov.u32 @p0 s16;
	s13 =	smov.u32 @p0 s15  }
0x75: {  	s15 =	sadd.s32 s13, s12  }
0x76: {  	s15 =	sshrl.u32 s15, $0x1  }
0x77: {  	v0 =	vld [tilespmem:s15+$0x0];
	_ =	sdelay $0x4  }
0x78: {  	(v2sf) =	vpush v0, $0x0;
	_ =	sdelay $0xe  }
0x79: {  	s26 =	spop (v2sf)  }
0x7a: {  	s16 =	sadd.s32 $0x1, s15;
	p0 =	slt.s32 s26, s4  }
0x7b: {  	s12 =	smov.u32 @p0 s16;
	s15 =	smov.u32 @p0 s13  }
0x7c: {  	s13 =	sadd.s32 s15, s12  }
0x7d: {  	p0 =	sgt.s32 s14, s4;
	s16 =	simm.s32 $0x9C4;
	s13 =	sshrl.u32 s13, $0x1  }
0x7e: {  	s16 =	simm.s32 @!p0 $0x1D4C;
	v0 =	vld [tilespmem:s13+$0x0]  }
0x7f: {  	v1 =	vld [tilespmem:s16+$0x0];
	_ =	sdelay $0x3  }
0x80: {  	(v2sf) =	vpush v0, $0x0  }
0x81: {  	(v2sf) =	vpush v1, $0x0;
	_ =	sdelay $0xd  }
0x82: {  	s17 =	simm.s32 $0x0;
	s28 =	spop (v2sf)  }
0x83: {  	s17 =	simm.s32 @!p0 $0x1389;
	s15 =	simm.s32 $0x1388;
	s18 =	spop (v2sf)  }
0x84: {  	s15 =	simm.s32 @!p0 $0x2710;
	p0 =	sgt.s32 s18, s4;
	s18 =	sor.u32 $0x1, s16  }
0x85: {  	s18 =	smov.u32 @p0 s17;
	s15 =	smov.u32 @p0 s16  }
0x86: {  	s16 =	sadd.s32 s18, s15  }
0x87: {  	s16 =	sshrl.u32 s16, $0x1  }
0x88: {  	v0 =	vld [tilespmem:s16+$0x0];
	_ =	sdelay $0x4  }
0x89: {  	(v2sf) =	vpush v0, $0x0;
	_ =	sdelay $0xe  }
0x8a: {  	s29 =	spop (v2sf)  }
0x8b: {  	s17 =	sor.u32 $0x1, s16;
	p0 =	sgt.s32 s29, s4  }
0x8c: {  	s17 =	smov.u32 @p0 s18;
	s15 =	smov.u32 @p0 s16  }
0x8d: {  	s16 =	sadd.s32 s15, s17  }
0x8e: {  	s16 =	sshrl.u32 s16, $0x1  }
0x8f: {  	v0 =	vld [tilespmem:s16+$0x0];
	_ =	sdelay $0x4  }
0x90: {  	(v2sf) =	vpush v0, $0x0;
	_ =	sdelay $0xe  }
0x91: {  	s30 =	spop (v2sf)  }
0x92: {  	s18 =	sadd.s32 $0x1, s16;
	p0 =	sgt.s32 s30, s4  }
0x93: {  	s18 =	smov.u32 @p0 s17;
	s15 =	smov.u32 @p0 s16  }
0x94: {  	s16 =	sxor.u32 s15, s18  }
0x95: {  	s17 =	sand.u32 s15, s18;
	s16 =	sshrl.u32 s16, $0x1  }
0x96: {  	s16 =	sadd.s32 s16, s17  }
0x97: {  	v0 =	vld [tilespmem:s16+$0x0];
	_ =	sdelay $0x4  }
0x98: {  	(v2sf) =	vpush v0, $0x0;
	_ =	sdelay $0xe  }
0x99: {  	s31 =	spop (v2sf)  }
0x9a: {  	s17 =	sadd.s32 $0x1, s16;
	p0 =	sgt.s32 s31, s4  }
0x9b: {  	s17 =	smov.u32 @p0 s18;
	s15 =	smov.u32 @p0 s16  }
0x9c: {  	s16 =	sadd.s32 s15, s17  }
0x9d: {  	s16 =	sshrl.u32 s16, $0x1  }
0x9e: {  	v0 =	vld [tilespmem:s16+$0x0];
	_ =	sdelay $0x4  }
0x9f: {  	(v2sf) =	vpush v0, $0x0;
	_ =	sdelay $0xe  }
0xa0: {  	s19 =	spop (v2sf)  }
0xa1: {  	s18 =	sadd.s32 $0x1, s16;
	p0 =	sgt.s32 s19, s4  }
0xa2: {  	s18 =	smov.u32 @p0 s17;
	s15 =	smov.u32 @p0 s16  }
0xa3: {  	s16 =	sadd.s32 s15, s18  }
0xa4: {  	s16 =	sshrl.u32 s16, $0x1  }
0xa5: {  	v0 =	vld [tilespmem:s16+$0x0];
	_ =	sdelay $0x4  }
0xa6: {  	(v2sf) =	vpush v0, $0x0;
	_ =	sdelay $0xe  }
0xa7: {  	s20 =	spop (v2sf)  }
0xa8: {  	s17 =	sadd.s32 $0x1, s16;
	p0 =	sgt.s32 s20, s4  }
0xa9: {  	s17 =	smov.u32 @p0 s18;
	s15 =	smov.u32 @p0 s16  }
0xaa: {  	s16 =	sadd.s32 s15, s17  }
0xab: {  	s16 =	sshrl.u32 s16, $0x1  }
0xac: {  	v0 =	vld [tilespmem:s16+$0x0];
	_ =	sdelay $0x4  }
0xad: {  	(v2sf) =	vpush v0, $0x0;
	_ =	sdelay $0xe  }
0xae: {  	s21 =	spop (v2sf)  }
0xaf: {  	s18 =	sadd.s32 $0x1, s16;
	p0 =	sgt.s32 s21, s4  }
0xb0: {  	s18 =	smov.u32 @p0 s17;
	s15 =	smov.u32 @p0 s16  }
0xb1: {  	s16 =	sadd.s32 s15, s18  }
0xb2: {  	s16 =	sshrl.u32 s16, $0x1  }
0xb3: {  	v0 =	vld [tilespmem:s16+$0x0];
	_ =	sdelay $0x4  }
0xb4: {  	(v2sf) =	vpush v0, $0x0;
	_ =	sdelay $0xe  }
0xb5: {  	s22 =	spop (v2sf)  }
0xb6: {  	s17 =	sadd.s32 $0x1, s16;
	p0 =	sgt.s32 s22, s4  }
0xb7: {  	s17 =	smov.u32 @p0 s18;
	s15 =	smov.u32 @p0 s16  }
0xb8: {  	s16 =	sadd.s32 s15, s17  }
0xb9: {  	s16 =	sshrl.u32 s16, $0x1  }
0xba: {  	v0 =	vld [tilespmem:s16+$0x0];
	_ =	sdelay $0x4  }
0xbb: {  	(v2sf) =	vpush v0, $0x0;
	_ =	sdelay $0xe  }
0xbc: {  	s23 =	spop (v2sf)  }
0xbd: {  	s18 =	sadd.s32 $0x1, s16;
	p0 =	sgt.s32 s23, s4  }
0xbe: {  	s18 =	smov.u32 @p0 s17;
	s15 =	smov.u32 @p0 s16  }
0xbf: {  	s16 =	sadd.s32 s15, s18  }
0xc0: {  	s16 =	sshrl.u32 s16, $0x1  }
0xc1: {  	v0 =	vld [tilespmem:s16+$0x0];
	_ =	sdelay $0x4  }
0xc2: {  	(v2sf) =	vpush v0, $0x0;
	_ =	sdelay $0xe  }
0xc3: {  	s24 =	spop (v2sf)  }
0xc4: {  	s17 =	sadd.s32 $0x1, s16;
	p0 =	sgt.s32 s24, s4  }
0xc5: {  	s17 =	smov.u32 @p0 s18;
	s15 =	smov.u32 @p0 s16  }
0xc6: {  	s16 =	sadd.s32 s15, s17  }
0xc7: {  	s16 =	sshrl.u32 s16, $0x1  }
0xc8: {  	v0 =	vld [tilespmem:s16+$0x0];
	_ =	sdelay $0x4  }
0xc9: {  	(v2sf) =	vpush v0, $0x0;
	_ =	sdelay $0xe  }
0xca: {  	s25 =	spop (v2sf)  }
0xcb: {  	s18 =	sadd.s32 $0x1, s16;
	p0 =	sgt.s32 s25, s4  }
0xcc: {  	s18 =	smov.u32 @p0 s17;
	s15 =	smov.u32 @p0 s16  }
0xcd: {  	s16 =	sadd.s32 s15, s18  }
0xce: {  	s16 =	sshrl.u32 s16, $0x1  }
0xcf: {  	v0 =	vld [tilespmem:s16+$0x0];
	_ =	sdelay $0x4  }
0xd0: {  	(v2sf) =	vpush v0, $0x0;
	_ =	sdelay $0xe  }
0xd1: {  	s26 =	spop (v2sf)  }
0xd2: {  	s17 =	sadd.s32 $0x1, s16;
	p0 =	sgt.s32 s26, s4  }
0xd3: {  	s17 =	smov.u32 @p0 s18;
	s15 =	smov.u32 @p0 s16  }
0xd4: {  	s15 =	sadd.s32 s15, s17  }
0xd5: {  	s15 =	sshrl.u32 s15, $0x1  }
0xd6: {  	v0 =	vld [tilespmem:s15+$0x0];
	_ =	sdelay $0x4  }
0xd7: {  	(v2sf) =	vpush v0, $0x0;
	_ =	sdelay $0xe  }
0xd8: {  	p0 =	slt.s32 s28, s4;
	s28 =	spop (v2sf)  }
0xd9: {  	s13 =	sadd.s32 $0x1, s13;
	s14 =	sadd.s32 $0x1, s15;
	p1 =	sgt.s32 s28, s4  }
0xda: {  	s12 =	smov.u32 @p0 s13;
	s14 =	smov.u32 @p1 s17  }
0xdb: {  	s13 =	ssub.s32 s14, s12  }
0xdc: {  	s29 =	sadd.s32 $0xFF, s13  }
0xdd: {  	s30 =	sshll.u32 s29, $0x10  }
0xde: {  	s31 =	sand.u32 $0xFF, s29;
	s16 =	sshra.s32 s30, $0x1F  }
0xdf: {  	p5 =	slt.s32 s13, $0xFFFFFF02;
	p6 =	sne.s32 s31, $0x0;
	s16 =	sand.u32 $0xFF, s16  }
0xe0: {  	p0 =	por !p5, !p6;
	s15 =	sadd.s32 s16, s29  }
0xe1: {  	p0 =	por !p0, !p0;
	s16 =	simm.s32 $0x1;
	s15 =	sshll.u32 s15, $0x10  }
0xe2: {  	s16 =	simm.s32 @!p0 $0x0;
	s15 =	sshra.s32 s15, $0x18  }
0xe3: {  	s15 =	ssub.s32 s15, s16  }
0xe4: {  	p0 =	slt.s32 s15, $0x1  }
.Ltmp2:
0xe5: {  	_ = 	snop;
	(pc) =	sbr.rel @!p0 .LBB2_2-.Ltmp2, $4  }
.Ltmp3:
0xe6: {  	_ = 	snop;
	(pc) =	sbr.rel @p0 .LBB2_7-.Ltmp3, $4  }
0xe7: {  	v2 =	vimm.f32 $0.0e+00;
	v3 =	vimm.f32 $0.0e+00  }
0xe8: {  	v4 =	vimm.f32 $0.0e+00;
	v5 =	vimm.f32 $0.0e+00;
	v6 =	vimm.f32 $0.0e+00  }
0xe9: {  	v7 =	vimm.f32 $0.0e+00;
	v1 =	vimm.f32 $0.0e+00;
	v0 =	vimm.f32 $0.0e+00;
	s17 =	simm.s32 $0x0;
	s16 =	smov.u32 s12  }
0xea: {  	_ = 	snop  }
.LBB2_5:
0xeb: {  	_ = 	snop  }
0xec: {  	v4 =	vadd.f32 v9, v4  }
0xed: {  	v3 =	vadd.f32 v8, v3;
	v2 =	vadd.f32 v10, v2  }
0xee: {  	v1 =	vadd.f32 v11, v1;
	v7 =	vadd.f32 v12, v7  }
.LBB2_6:
0xef: {  	s17 =	sadd.s32 $0x1, s17  }
0xf0: {  	p0 =	sne.s32 s17, s15  }
.Ltmp4:
0xf1: {  	_ = 	snop;
	(pc) =	sbr.rel @!p0 .LBB2_7-.Ltmp4, $2  }
0xf2: {  	_ =	sdelay $0x2  }
0xf3: {  	s16 =	sadd.s32 $0x100, s16  }
.LBB2_2:
0xf4: {  	s18 =	sshll.u32 s17, $0x8  }
0xf5: {  	s18 =	sadd.s32 s12, s18  }
0xf6: {  	p0 =	slt.s32 s18, $0x2610  }
0xf7: {  	s18 =	simm.s32 @!p0 $0x2610  }
0xf8: {  	s19 =	sshll.u32 s18, $0x4  }
0xf9: {  	s19 =	sand.u32 $0x1FFFFFF0, s19  }
0xfa: {  	s20 =	sadd.s32 $0x100, s18;
	s19 =	sadd.s32 s1, s19  }
0xfb: {  	[tilespmem:s9], [sflag:$0x1] =	stream.linear.gather [hbm4b:s19+s3], $0x8000, $0x38;
	[tilespmem:$0xA800] =	vst v63  }
0xfc: {  	p0 =	sgt.s32 s12, s18;
	p1 =	slt.s32 s14, s20;
	s19 =	smov.u32 s18  }
0xfd: {  	s20 =	smov.u32 @p1 s14;
	s19 =	smov.u32 @p0 s12  }
0xfe: {  	s19 =	ssub.s32 s19, s18;
	s18 =	ssub.s32 s20, s18  }
0xff: {  	p0 =	sge.s32 s19, s18  }
.Ltmp5:
0x100: {  	_ = 	snop;
	(pc) =	sbr.rel @p0 .LBB2_6-.Ltmp5, $4  }
0x101: {  	_ = 	snop  }
0x102: {  	_ =	swait.ge [sflag:s8], $0x8000  }
0x103: {  	[sflag:s8] =	ssyncset.done $0x0  }
0x104: {  	[sflag:s8] =	ssyncadd.s32 $0xFFFF8000  }
0x105: {  	p0 =	slt.s32 s16, $0x2610;
	s20 =	smov.u32 s16  }
0x106: {  	s20 =	simm.s32 @!p0 $0x2610  }
0x107: {  	p0 =	sgt.s32 s12, s20  }
0x108: {  	s21 =	sshll.u32 s20, $0x9;
	s20 =	smov.u32 @p0 s12  }
0x109: {  	s20 =	sshll.u32 s20, $0x9  }
0x10a: {  	s20 =	ssub.s32 s20, s21  }
0x10b: {  	s20 =	sshra.s32 s20, $0x2  }
0x10c: {  	s20 =	sadd.s32 $0x27C0, s20  }
0x10d: {  	v11 =	vld [tilespmem:s20+$0x30]  }
0x10e: {  	v12 =	vld [tilespmem:s20+$0xFFFFFFD0]  }
0x10f: {  	s19 =	sadd.s32 $0x1, s19;
	v13 =	vld [tilespmem:s20+$0xFFFFFFE0]  }
0x110: {  	p0 =	slt.s32 s19, s18;
	v9 =	vld [tilespmem:s20+$0xFFFFFFF0]  }
.Ltmp6:
0x111: {  	v8 =	vld [tilespmem:s20+$0x0];
	(pc) =	sbr.rel @!p0 .LBB2_5-.Ltmp6, $4  }
0x112: {  	v10 =	vld [tilespmem:s20+$0x10]  }
0x113: {  	v0 =	vadd.f32 v11, v0;
	v11 =	vld [tilespmem:s20+$0x20]  }
0x114: {  	v6 =	vadd.f32 v12, v6;
	v12 =	vld [tilespmem:s20+$0xFFFFFFC0]  }
0x115: {  	v5 =	vadd.f32 v13, v5;
	s20 =	sadd.s32 $0x80, s20  }
.LBB2_4:
0x116: {  	v13 =	vld [tilespmem:s20+$0x30];
	s19 =	sadd.s32 $0x1, s19;
	v4 =	vadd.f32 v9, v4  }
0x117: {  	v3 =	vadd.f32 v8, v3;
	v14 =	vld [tilespmem:s20+$0xFFFFFFD0];
	p0 =	slt.s32 s19, s18  }
0x118: {  	v2 =	vadd.f32 v10, v2;
	v15 =	vld [tilespmem:s20+$0xFFFFFFE0]  }
.Ltmp7:
0x119: {  	v1 =	vadd.f32 v11, v1;
	v9 =	vld [tilespmem:s20+$0xFFFFFFF0];
	(pc) =	sbr.rel @p0 .LBB2_4-.Ltmp7, $4  }
0x11a: {  	v7 =	vadd.f32 v12, v7;
	v8 =	vld [tilespmem:s20+$0x0]  }
0x11b: {  	v10 =	vld [tilespmem:s20+$0x10];
	v0 =	vadd.f32 v13, v0  }
0x11c: {  	v6 =	vadd.f32 v14, v6;
	v11 =	vld [tilespmem:s20+$0x20]  }
0x11d: {  	v12 =	vld [tilespmem:s20+$0xFFFFFFC0];
	v5 =	vadd.f32 v15, v5;
	s20 =	sadd.s32 $0x80, s20  }
.Ltmp8:
0x11e: {  	_ = 	snop;
	(pc) =	sbr.rel .LBB2_5-.Ltmp8, $1  }
0x11f: {  	_ =	sdelay $0x3  }
.LBB2_8:
0x120: {  	_ =	sfence.sel $0x180000  }
0x121: {  	[bflag:$0x0] =	sbarrier.arrive $0xFFFF  }
0x122: {  	p0 =	sne.s32 s2, $0x0;
	_ =	strace $0x90000047  }
0x123: {  	s0 =	sadd.s32 @!p0 $0x100000, s0;
	[bflag:$0x2] =	sbarrier.arrive $0xFFFF  }
0x124: {  	[sflag:s0] =	ssyncadd.tile.s32 @!p0 $0x1;
	_ =	shalt  }
.Lfunc_end2:
_tile_overlayer_lowered:
.L_overlay_start_2:
0x125: {  	(tag) =	ssettag $0x2  }
0x126: {  	s0 =	rddreg [dreg:$0x0];
	s2 =	stileid.u32  }
0x127: {  	s1 =	rddreg [dreg:$0x1];
	p0 =	sne.s32 s2, $0x0  }
0x128: {  	s3 =	rddreg [dreg:$0x2];
	[bflag:$0x3] =	sbarrier.arrive $0xFFFF;
	s2 =	simm.s32 @!p0 $0x1C01  }
0x129: {  	[timem:s3], [sflag:s2] =	dma.local @!p0 [hbm:s0], s1  }
0x12a: {  	s0 =	simm.s32 @!p0 $0x1  }
0x12b: {  	_ =	swait.ge @!p0 [sflag:s0], s1  }
0x12c: {  	s1 =	ssub.s32 @!p0 $0x0, s1;
	[sflag:s0] =	ssyncset.done @!p0 $0x0  }
0x12d: {  	[sflag:s0] =	ssyncadd.s32 @!p0 s1  }
0x12e: {  	[bflag:$0x3] =	sbarrier.arrive $0xFFFF  }
0x12f: {  	_ =	shalt  }

</sc_bundles>
